<compile_context>
chip_gen: v7x
topology: tpu7x:2x2x1
jax: 0.10.2.dev20260603
libtpu: 0.0.44.dev20260713+nightly
codegen_flags: <defaults>
</compile_context>

<pallas_src>
import jax
import jax.numpy as jnp
from jax import lax
from jax.experimental import pallas as pl
from jax.experimental.pallas import tpu as pltpu
from jax.experimental.pallas import tpu_sc as plsc

HIDDEN = 2048
NUM_EXPERTS = 16
TOP_K = 2
NUM_CORES = 2
NUM_SUBCORES = 16
LANES = 16

TOKENS = 16384
NUM_WORKERS = NUM_CORES * NUM_SUBCORES
NCHUNK = 1
CTOK = TOKENS // NCHUNK
TOK_PER_W = CTOK // NUM_WORKERS
GROUPS = TOK_PER_W // LANES


def _logits_body(x_ref, w_ref, o_ref):
    o_ref[...] = lax.dot_general(
        x_ref[...], w_ref[...],
        dimension_numbers=(((1,), (1,)), ((), ())),
        preferred_element_type=jnp.float32,
    )


def _fill_body(l_ref, z_ref):
    z_ref[...] = jnp.zeros_like(z_ref)


def _zeros_fill(logits):
    bz = 2048
    return pl.pallas_call(
        _fill_body,
        grid=(TOKENS // bz,),
        in_specs=[pl.BlockSpec((8, NUM_EXPERTS), lambda i: (0, 0))],
        out_specs=pl.BlockSpec((bz, HIDDEN), lambda i: (i, 0)),
        out_shape=jax.ShapeDtypeStruct((TOKENS, HIDDEN), jnp.float32),
    )(logits)


def _sc_mask_body(logits_hbm, mask_hbm, lv, m):
    c = lax.axis_index("c")
    s = lax.axis_index("s")
    wid = s * NUM_CORES + c
    base = wid * TOK_PER_W
    pltpu.sync_copy(logits_hbm.at[pl.ds(base, TOK_PER_W), :], lv)

    lanes = lax.broadcasted_iota(jnp.int32, (LANES,), 0)
    neg_inf = jnp.full((LANES,), -jnp.inf, jnp.float32)
    zero_i = jnp.zeros((LANES,), jnp.int32)
    one_f = jnp.ones((LANES,), jnp.float32)
    zero_f = jnp.zeros((LANES,), jnp.float32)

    def g_body(g, carry):
        row = g * LANES + lanes
        m1, e1 = neg_inf, zero_i
        m2, e2 = neg_inf, zero_i
        for e in range(NUM_EXPERTS):
            col = plsc.load_gather(lv, [row, jnp.full((LANES,), e, jnp.int32)])
            ev = jnp.full((LANES,), e, jnp.int32)
            gt1 = col > m1
            gt2 = col > m2
            m2 = jnp.where(gt1, m1, jnp.where(gt2, col, m2))
            e2 = jnp.where(gt1, e1, jnp.where(gt2, ev, e2))
            m1 = jnp.where(gt1, col, m1)
            e1 = jnp.where(gt1, ev, e1)
        for e in range(NUM_EXPERTS):
            m[e, 0, pl.ds(g * LANES, LANES)] = jnp.where(e1 == e, one_f, zero_f)
            m[e, 1, pl.ds(g * LANES, LANES)] = jnp.where(e2 == e, one_f, zero_f)
        return carry

    lax.fori_loop(0, GROUPS, g_body, 0)
    pltpu.sync_copy(m, mask_hbm.at[:, :, pl.ds(base, TOK_PER_W)])


def _expert_mask(logits):
    mesh = plsc.VectorSubcoreMesh(
        core_axis_name="c", subcore_axis_name="s",
        num_cores=NUM_CORES, num_subcores=NUM_SUBCORES,
    )
    f = pl.kernel(
        _sc_mask_body,
        out_type=jax.ShapeDtypeStruct((NUM_EXPERTS, TOP_K, CTOK), jnp.float32),
        mesh=mesh,
        scratch_types=[
            pltpu.VMEM((TOK_PER_W, NUM_EXPERTS), jnp.float32),
            pltpu.VMEM((NUM_EXPERTS, TOP_K, TOK_PER_W), jnp.float32),
        ],
        compiler_params=pltpu.CompilerParams(needs_layout_passes=False),
    )
    return f(logits)


def kernel(hidden_states, gate_w):
    x = hidden_states.reshape(-1, HIDDEN)
    bt = 1024
    mask_chunks = []
    logits_list = []
    for ci in range(NCHUNK):
        off = ci * (CTOK // bt)
        logits = pl.pallas_call(
            _logits_body,
            grid=(CTOK // bt,),
            in_specs=[
                pl.BlockSpec((bt, HIDDEN), lambda i, o=off: (i + o, 0)),
                pl.BlockSpec((NUM_EXPERTS, HIDDEN), lambda i: (0, 0)),
            ],
            out_specs=pl.BlockSpec((bt, NUM_EXPERTS), lambda i: (i, 0)),
            out_shape=jax.ShapeDtypeStruct((CTOK, NUM_EXPERTS), jnp.float32),
        )(x, gate_w)
        logits_list.append(logits)
        mask_chunks.append(_expert_mask(logits))
    expert_mask = (mask_chunks[0] if NCHUNK == 1
                   else jnp.concatenate(mask_chunks, axis=2))
    final_hidden_states = _zeros_fill(logits_list[-1])
    return (final_hidden_states, expert_mask)

# --- scband reference (transcript-rebuilt; emitter-appended) ---
"""Pipeline reference for scband-sync-arctic-moe-block-1726576856634 (READ-ONLY COPY).

The authoritative reference and input builder live on the scoring server;
editing this copy changes nothing except your own understanding.
"""

import jax, jax.numpy as jnp
import numpy as np

HIDDEN = 2048
NUM_EXPERTS = 16
TOP_K = 2
B = 4
S = 4096


def setup_inputs(seed: int = 0) -> dict:
    key = jax.random.key(seed)
    k1, k2 = jax.random.split(key)
    hidden_states = jax.random.normal(k1, (B, S, HIDDEN), dtype=jnp.float32)
    # gate: nn.Linear(hidden_dim, num_experts, bias=False) -> weight [E, H]
    gate_w = jax.random.normal(k2, (NUM_EXPERTS, HIDDEN), dtype=jnp.float32) * 0.02
    return {"hidden_states": hidden_states, "gate_w": gate_w}


def reference(hidden_states, gate_w):
    batch_size, sequence_length, hidden_dim = hidden_states.shape
    x = hidden_states.reshape(-1, hidden_dim)
    # router_logits = self.gate(hidden_states)
    router_logits = x @ gate_w.T
    # routing_weights = softmax(router_logits, dim=1, dtype=float32)
    routing_weights = jax.nn.softmax(router_logits.astype(jnp.float32), axis=1)
    # topk over experts
    routing_weights_top, selected_experts = jax.lax.top_k(routing_weights, TOP_K)
    # final_hidden_states initialized to zeros (the original forward returns it as-is;
    # expert dispatch happens via external prefetcher machinery not part of the math)
    final_hidden_states = jnp.zeros((batch_size * sequence_length, hidden_dim), dtype=hidden_states.dtype)
    # expert_mask = one_hot(selected_experts, num_experts).permute(2, 1, 0)
    expert_mask = jax.nn.one_hot(selected_experts, NUM_EXPERTS, dtype=jnp.float32)  # [T, top_k, E]
    expert_mask = jnp.transpose(expert_mask, (2, 1, 0))  # [E, top_k, T]
    return (final_hidden_states, expert_mask)

if __name__ == "__main__":
    import jax
    _d = setup_inputs()
    print(jax.jit(kernel)(*tuple(_d.values())))

</pallas_src>

<mosaic_0001>
#map = affine_map<(d0, d1) -> (0, 0)>
#map1 = affine_map<(d0, d1) -> (0, 0, 0)>
module attributes {stable_mosaic.version = 14 : i64} {
  func.func @_sc_mask_body(%arg0: i32, %arg1: i32, %arg2: memref<16384x16xf32, #tpu.memory_space<hbm>>, %arg3: memref<16x2x16384xf32, #tpu.memory_space<hbm>>, %arg4: memref<512x16xf32, #tpu.memory_space<vmem>>, %arg5: memref<16x2x512xf32, #tpu.memory_space<vmem>>) attributes {dimension_semantics = [#tpu.dimension_semantics<core_parallel>, #tpu.dimension_semantics<subcore_parallel>], iteration_bounds = array<i64: 2, 16>, scalar_prefetch = 0 : i64, scratch_operands = 2 : i64, tpu.core_type = #tpu.core_type<sc_vector_subcore>, window_params = [{transform_indices = #map}, {transform_indices = #map1}]} {
    %mul3A = arith.constant 2 : i32
    %mul3A_0 = arith.muli %arg1, %mul3A : i32
    %add3A = arith.addi %mul3A_0, %arg0 : i32
    %mul3A_1 = arith.constant 512 : i32
    %mul3A_2 = arith.muli %add3A, %mul3A_1 : i32
    "tpu.region"() ({
      %run_scoped3A = tpu.sem_alloc : memref<!tpu.dma_semaphore, #tpu.memory_space<semaphore_mem>>
      %dma_start3A = arith.constant 0 : i32
      %dma_start3A_15 = tpu.memref_slice %arg2[%mul3A_2, %dma_start3A] : memref<16384x16xf32, #tpu.memory_space<hbm>> -> memref<512x16xf32, #tpu.memory_space<hbm>>
      %dma_start3A_16 = arith.constant 0 : i32
      %dma_start3A_17 = tpu.memref_slice %arg2[%mul3A_2, %dma_start3A_16] : memref<16384x16xf32, #tpu.memory_space<hbm>> -> memref<512x16xf32, #tpu.memory_space<hbm>>
      tpu.enqueue_dma source(%dma_start3A_17 : memref<512x16xf32, #tpu.memory_space<hbm>>) target(%arg4 : memref<512x16xf32, #tpu.memory_space<vmem>>) target_semaphore(%run_scoped3A : memref<!tpu.dma_semaphore, #tpu.memory_space<semaphore_mem>>)
      %dma_wait3A = arith.constant 0 : i32
      %dma_wait3A_18 = tpu.memref_slice %arg2[%mul3A_2, %dma_wait3A] : memref<16384x16xf32, #tpu.memory_space<hbm>> -> memref<512x16xf32, #tpu.memory_space<hbm>>
      %dma_wait3A_19 = arith.constant 0 : i32
      %dma_wait3A_20 = tpu.memref_slice %arg2[%mul3A_2, %dma_wait3A_19] : memref<16384x16xf32, #tpu.memory_space<hbm>> -> memref<512x16xf32, #tpu.memory_space<hbm>>
      tpu.wait_dma2 semaphore(%run_scoped3A : memref<!tpu.dma_semaphore, #tpu.memory_space<semaphore_mem>>) src(%dma_wait3A_20 : memref<512x16xf32, #tpu.memory_space<hbm>>) dst(%arg4 : memref<512x16xf32, #tpu.memory_space<vmem>>)
      tpu.yield
    }) : () -> ()
    %iota3A = tpu.iota {dimensions = array<i32: 0>} : vector<16xi32>
    %broadcast_in_dim3A = arith.constant 0xFF800000 : f32
    %broadcast_in_dim3A_3 = vector.broadcast %broadcast_in_dim3A : f32 to vector<16xf32>
    %broadcast_in_dim3A_4 = arith.constant 0 : i32
    %broadcast_in_dim3A_5 = vector.broadcast %broadcast_in_dim3A_4 : i32 to vector<16xi32>
    %broadcast_in_dim3A_6 = arith.constant 1.000000e+00 : f32
    %broadcast_in_dim3A_7 = vector.broadcast %broadcast_in_dim3A_6 : f32 to vector<16xf32>
    %broadcast_in_dim3A_8 = arith.constant 0.000000e+00 : f32
    %broadcast_in_dim3A_9 = vector.broadcast %broadcast_in_dim3A_8 : f32 to vector<16xf32>
    %scan3A = arith.constant 0 : i32
    %scan3A_10 = arith.constant 0 : i32
    %scan3A_11 = arith.constant 32 : i32
    %scan3A_12 = arith.addi %scan3A_10, %scan3A_11 : i32
    %scan3A_13 = arith.constant 1 : i32
    scf.for %scan3A_15 = %scan3A_10 to %scan3A_12 step %scan3A_13  : i32 {
      %mul3A_16 = arith.constant 16 : i32
      %mul3A_17 = arith.muli %scan3A_15, %mul3A_16 : i32
      %add3A_18 = vector.broadcast %mul3A_17 : i32 to vector<16xi32>
      %add3A_19 = arith.addi %add3A_18, %iota3A : vector<16xi32>
      %broadcast_in_dim3A_20 = arith.constant 0 : i32
      %broadcast_in_dim3A_21 = vector.broadcast %broadcast_in_dim3A_20 : i32 to vector<16xi32>
      %gather3A = tpu.vector_load_idx %arg4[%add3A_19, %broadcast_in_dim3A_21] : memref<512x16xf32, #tpu.memory_space<vmem>>[vector<16xi32>, vector<16xi32>], vector<16xf32>,
      %broadcast_in_dim3A_22 = arith.constant 0 : i32
      %broadcast_in_dim3A_23 = vector.broadcast %broadcast_in_dim3A_22 : i32 to vector<16xi32>
      %gt3A = arith.cmpf ogt, %gather3A, %broadcast_in_dim3A_3 : vector<16xf32>
      %gt3A_24 = arith.cmpf ogt, %gather3A, %broadcast_in_dim3A_3 : vector<16xf32>
      %select_n3A = arith.select %gt3A_24, %gather3A, %broadcast_in_dim3A_3 : vector<16xi1>, vector<16xf32>
      %select_n3A_25 = arith.select %gt3A, %broadcast_in_dim3A_3, %select_n3A : vector<16xi1>, vector<16xf32>
      %select_n3A_26 = arith.select %gt3A_24, %broadcast_in_dim3A_23, %broadcast_in_dim3A_5 : vector<16xi1>, vector<16xi32>
      %select_n3A_27 = arith.select %gt3A, %broadcast_in_dim3A_5, %select_n3A_26 : vector<16xi1>, vector<16xi32>
      %select_n3A_28 = arith.select %gt3A, %gather3A, %broadcast_in_dim3A_3 : vector<16xi1>, vector<16xf32>
      %select_n3A_29 = arith.select %gt3A, %broadcast_in_dim3A_23, %broadcast_in_dim3A_5 : vector<16xi1>, vector<16xi32>
      %broadcast_in_dim3A_30 = arith.constant 1 : i32
      %broadcast_in_dim3A_31 = vector.broadcast %broadcast_in_dim3A_30 : i32 to vector<16xi32>
      %gather3A_32 = tpu.vector_load_idx %arg4[%add3A_19, %broadcast_in_dim3A_31] : memref<512x16xf32, #tpu.memory_space<vmem>>[vector<16xi32>, vector<16xi32>], vector<16xf32>,
      %broadcast_in_dim3A_33 = arith.constant 1 : i32
      %broadcast_in_dim3A_34 = vector.broadcast %broadcast_in_dim3A_33 : i32 to vector<16xi32>
      %gt3A_35 = arith.cmpf ogt, %gather3A_32, %select_n3A_28 : vector<16xf32>
      %gt3A_36 = arith.cmpf ogt, %gather3A_32, %select_n3A_25 : vector<16xf32>
      %select_n3A_37 = arith.select %gt3A_36, %gather3A_32, %select_n3A_25 : vector<16xi1>, vector<16xf32>
      %select_n3A_38 = arith.select %gt3A_35, %select_n3A_28, %select_n3A_37 : vector<16xi1>, vector<16xf32>
      %select_n3A_39 = arith.select %gt3A_36, %broadcast_in_dim3A_34, %select_n3A_27 : vector<16xi1>, vector<16xi32>
      %select_n3A_40 = arith.select %gt3A_35, %select_n3A_29, %select_n3A_39 : vector<16xi1>, vector<16xi32>
      %select_n3A_41 = arith.select %gt3A_35, %gather3A_32, %select_n3A_28 : vector<16xi1>, vector<16xf32>
      %select_n3A_42 = arith.select %gt3A_35, %broadcast_in_dim3A_34, %select_n3A_29 : vector<16xi1>, vector<16xi32>
      %broadcast_in_dim3A_43 = arith.constant 2 : i32
      %broadcast_in_dim3A_44 = vector.broadcast %broadcast_in_dim3A_43 : i32 to vector<16xi32>
      %gather3A_45 = tpu.vector_load_idx %arg4[%add3A_19, %broadcast_in_dim3A_44] : memref<512x16xf32, #tpu.memory_space<vmem>>[vector<16xi32>, vector<16xi32>], vector<16xf32>,
      %broadcast_in_dim3A_46 = arith.constant 2 : i32
      %broadcast_in_dim3A_47 = vector.broadcast %broadcast_in_dim3A_46 : i32 to vector<16xi32>
      %gt3A_48 = arith.cmpf ogt, %gather3A_45, %select_n3A_41 : vector<16xf32>
      %gt3A_49 = arith.cmpf ogt, %gather3A_45, %select_n3A_38 : vector<16xf32>
      %select_n3A_50 = arith.select %gt3A_49, %gather3A_45, %select_n3A_38 : vector<16xi1>, vector<16xf32>
      %select_n3A_51 = arith.select %gt3A_48, %select_n3A_41, %select_n3A_50 : vector<16xi1>, vector<16xf32>
      %select_n3A_52 = arith.select %gt3A_49, %broadcast_in_dim3A_47, %select_n3A_40 : vector<16xi1>, vector<16xi32>
      %select_n3A_53 = arith.select %gt3A_48, %select_n3A_42, %select_n3A_52 : vector<16xi1>, vector<16xi32>
      %select_n3A_54 = arith.select %gt3A_48, %gather3A_45, %select_n3A_41 : vector<16xi1>, vector<16xf32>
      %select_n3A_55 = arith.select %gt3A_48, %broadcast_in_dim3A_47, %select_n3A_42 : vector<16xi1>, vector<16xi32>
      %broadcast_in_dim3A_56 = arith.constant 3 : i32
      %broadcast_in_dim3A_57 = vector.broadcast %broadcast_in_dim3A_56 : i32 to vector<16xi32>
      %gather3A_58 = tpu.vector_load_idx %arg4[%add3A_19, %broadcast_in_dim3A_57] : memref<512x16xf32, #tpu.memory_space<vmem>>[vector<16xi32>, vector<16xi32>], vector<16xf32>,
      %broadcast_in_dim3A_59 = arith.constant 3 : i32
      %broadcast_in_dim3A_60 = vector.broadcast %broadcast_in_dim3A_59 : i32 to vector<16xi32>
      %gt3A_61 = arith.cmpf ogt, %gather3A_58, %select_n3A_54 : vector<16xf32>
      %gt3A_62 = arith.cmpf ogt, %gather3A_58, %select_n3A_51 : vector<16xf32>
      %select_n3A_63 = arith.select %gt3A_62, %gather3A_58, %select_n3A_51 : vector<16xi1>, vector<16xf32>
      %select_n3A_64 = arith.select %gt3A_61, %select_n3A_54, %select_n3A_63 : vector<16xi1>, vector<16xf32>
      %select_n3A_65 = arith.select %gt3A_62, %broadcast_in_dim3A_60, %select_n3A_53 : vector<16xi1>, vector<16xi32>
      %select_n3A_66 = arith.select %gt3A_61, %select_n3A_55, %select_n3A_65 : vector<16xi1>, vector<16xi32>
      %select_n3A_67 = arith.select %gt3A_61, %gather3A_58, %select_n3A_54 : vector<16xi1>, vector<16xf32>
      %select_n3A_68 = arith.select %gt3A_61, %broadcast_in_dim3A_60, %select_n3A_55 : vector<16xi1>, vector<16xi32>
      %broadcast_in_dim3A_69 = arith.constant 4 : i32
      %broadcast_in_dim3A_70 = vector.broadcast %broadcast_in_dim3A_69 : i32 to vector<16xi32>
      %gather3A_71 = tpu.vector_load_idx %arg4[%add3A_19, %broadcast_in_dim3A_70] : memref<512x16xf32, #tpu.memory_space<vmem>>[vector<16xi32>, vector<16xi32>], vector<16xf32>,
      %broadcast_in_dim3A_72 = arith.constant 4 : i32
      %broadcast_in_dim3A_73 = vector.broadcast %broadcast_in_dim3A_72 : i32 to vector<16xi32>
      %gt3A_74 = arith.cmpf ogt, %gather3A_71, %select_n3A_67 : vector<16xf32>
      %gt3A_75 = arith.cmpf ogt, %gather3A_71, %select_n3A_64 : vector<16xf32>
      %select_n3A_76 = arith.select %gt3A_75, %gather3A_71, %select_n3A_64 : vector<16xi1>, vector<16xf32>
      %select_n3A_77 = arith.select %gt3A_74, %select_n3A_67, %select_n3A_76 : vector<16xi1>, vector<16xf32>
      %select_n3A_78 = arith.select %gt3A_75, %broadcast_in_dim3A_73, %select_n3A_66 : vector<16xi1>, vector<16xi32>
      %select_n3A_79 = arith.select %gt3A_74, %select_n3A_68, %select_n3A_78 : vector<16xi1>, vector<16xi32>
      %select_n3A_80 = arith.select %gt3A_74, %gather3A_71, %select_n3A_67 : vector<16xi1>, vector<16xf32>
      %select_n3A_81 = arith.select %gt3A_74, %broadcast_in_dim3A_73, %select_n3A_68 : vector<16xi1>, vector<16xi32>
      %broadcast_in_dim3A_82 = arith.constant 5 : i32
      %broadcast_in_dim3A_83 = vector.broadcast %broadcast_in_dim3A_82 : i32 to vector<16xi32>
      %gather3A_84 = tpu.vector_load_idx %arg4[%add3A_19, %broadcast_in_dim3A_83] : memref<512x16xf32, #tpu.memory_space<vmem>>[vector<16xi32>, vector<16xi32>], vector<16xf32>,
      %broadcast_in_dim3A_85 = arith.constant 5 : i32
      %broadcast_in_dim3A_86 = vector.broadcast %broadcast_in_dim3A_85 : i32 to vector<16xi32>
      %gt3A_87 = arith.cmpf ogt, %gather3A_84, %select_n3A_80 : vector<16xf32>
      %gt3A_88 = arith.cmpf ogt, %gather3A_84, %select_n3A_77 : vector<16xf32>
      %select_n3A_89 = arith.select %gt3A_88, %gather3A_84, %select_n3A_77 : vector<16xi1>, vector<16xf32>
      %select_n3A_90 = arith.select %gt3A_87, %select_n3A_80, %select_n3A_89 : vector<16xi1>, vector<16xf32>
      %select_n3A_91 = arith.select %gt3A_88, %broadcast_in_dim3A_86, %select_n3A_79 : vector<16xi1>, vector<16xi32>
      %select_n3A_92 = arith.select %gt3A_87, %select_n3A_81, %select_n3A_91 : vector<16xi1>, vector<16xi32>
      %select_n3A_93 = arith.select %gt3A_87, %gather3A_84, %select_n3A_80 : vector<16xi1>, vector<16xf32>
      %select_n3A_94 = arith.select %gt3A_87, %broadcast_in_dim3A_86, %select_n3A_81 : vector<16xi1>, vector<16xi32>
      %broadcast_in_dim3A_95 = arith.constant 6 : i32
      %broadcast_in_dim3A_96 = vector.broadcast %broadcast_in_dim3A_95 : i32 to vector<16xi32>
      %gather3A_97 = tpu.vector_load_idx %arg4[%add3A_19, %broadcast_in_dim3A_96] : memref<512x16xf32, #tpu.memory_space<vmem>>[vector<16xi32>, vector<16xi32>], vector<16xf32>,
      %broadcast_in_dim3A_98 = arith.constant 6 : i32
      %broadcast_in_dim3A_99 = vector.broadcast %broadcast_in_dim3A_98 : i32 to vector<16xi32>
      %gt3A_100 = arith.cmpf ogt, %gather3A_97, %select_n3A_93 : vector<16xf32>
      %gt3A_101 = arith.cmpf ogt, %gather3A_97, %select_n3A_90 : vector<16xf32>
      %select_n3A_102 = arith.select %gt3A_101, %gather3A_97, %select_n3A_90 : vector<16xi1>, vector<16xf32>
      %select_n3A_103 = arith.select %gt3A_100, %select_n3A_93, %select_n3A_102 : vector<16xi1>, vector<16xf32>
      %select_n3A_104 = arith.select %gt3A_101, %broadcast_in_dim3A_99, %select_n3A_92 : vector<16xi1>, vector<16xi32>
      %select_n3A_105 = arith.select %gt3A_100, %select_n3A_94, %select_n3A_104 : vector<16xi1>, vector<16xi32>
      %select_n3A_106 = arith.select %gt3A_100, %gather3A_97, %select_n3A_93 : vector<16xi1>, vector<16xf32>
      %select_n3A_107 = arith.select %gt3A_100, %broadcast_in_dim3A_99, %select_n3A_94 : vector<16xi1>, vector<16xi32>
      %broadcast_in_dim3A_108 = arith.constant 7 : i32
      %broadcast_in_dim3A_109 = vector.broadcast %broadcast_in_dim3A_108 : i32 to vector<16xi32>
      %gather3A_110 = tpu.vector_load_idx %arg4[%add3A_19, %broadcast_in_dim3A_109] : memref<512x16xf32, #tpu.memory_space<vmem>>[vector<16xi32>, vector<16xi32>], vector<16xf32>,
      %broadcast_in_dim3A_111 = arith.constant 7 : i32
      %broadcast_in_dim3A_112 = vector.broadcast %broadcast_in_dim3A_111 : i32 to vector<16xi32>
      %gt3A_113 = arith.cmpf ogt, %gather3A_110, %select_n3A_106 : vector<16xf32>
      %gt3A_114 = arith.cmpf ogt, %gather3A_110, %select_n3A_103 : vector<16xf32>
      %select_n3A_115 = arith.select %gt3A_114, %gather3A_110, %select_n3A_103 : vector<16xi1>, vector<16xf32>
      %select_n3A_116 = arith.select %gt3A_113, %select_n3A_106, %select_n3A_115 : vector<16xi1>, vector<16xf32>
      %select_n3A_117 = arith.select %gt3A_114, %broadcast_in_dim3A_112, %select_n3A_105 : vector<16xi1>, vector<16xi32>
      %select_n3A_118 = arith.select %gt3A_113, %select_n3A_107, %select_n3A_117 : vector<16xi1>, vector<16xi32>
      %select_n3A_119 = arith.select %gt3A_113, %gather3A_110, %select_n3A_106 : vector<16xi1>, vector<16xf32>
      %select_n3A_120 = arith.select %gt3A_113, %broadcast_in_dim3A_112, %select_n3A_107 : vector<16xi1>, vector<16xi32>
      %broadcast_in_dim3A_121 = arith.constant 8 : i32
      %broadcast_in_dim3A_122 = vector.broadcast %broadcast_in_dim3A_121 : i32 to vector<16xi32>
      %gather3A_123 = tpu.vector_load_idx %arg4[%add3A_19, %broadcast_in_dim3A_122] : memref<512x16xf32, #tpu.memory_space<vmem>>[vector<16xi32>, vector<16xi32>], vector<16xf32>,
      %broadcast_in_dim3A_124 = arith.constant 8 : i32
      %broadcast_in_dim3A_125 = vector.broadcast %broadcast_in_dim3A_124 : i32 to vector<16xi32>
      %gt3A_126 = arith.cmpf ogt, %gather3A_123, %select_n3A_119 : vector<16xf32>
      %gt3A_127 = arith.cmpf ogt, %gather3A_123, %select_n3A_116 : vector<16xf32>
      %select_n3A_128 = arith.select %gt3A_127, %gather3A_123, %select_n3A_116 : vector<16xi1>, vector<16xf32>
      %select_n3A_129 = arith.select %gt3A_126, %select_n3A_119, %select_n3A_128 : vector<16xi1>, vector<16xf32>
      %select_n3A_130 = arith.select %gt3A_127, %broadcast_in_dim3A_125, %select_n3A_118 : vector<16xi1>, vector<16xi32>
      %select_n3A_131 = arith.select %gt3A_126, %select_n3A_120, %select_n3A_130 : vector<16xi1>, vector<16xi32>
      %select_n3A_132 = arith.select %gt3A_126, %gather3A_123, %select_n3A_119 : vector<16xi1>, vector<16xf32>
      %select_n3A_133 = arith.select %gt3A_126, %broadcast_in_dim3A_125, %select_n3A_120 : vector<16xi1>, vector<16xi32>
      %broadcast_in_dim3A_134 = arith.constant 9 : i32
      %broadcast_in_dim3A_135 = vector.broadcast %broadcast_in_dim3A_134 : i32 to vector<16xi32>
      %gather3A_136 = tpu.vector_load_idx %arg4[%add3A_19, %broadcast_in_dim3A_135] : memref<512x16xf32, #tpu.memory_space<vmem>>[vector<16xi32>, vector<16xi32>], vector<16xf32>,
      %broadcast_in_dim3A_137 = arith.constant 9 : i32
      %broadcast_in_dim3A_138 = vector.broadcast %broadcast_in_dim3A_137 : i32 to vector<16xi32>
      %gt3A_139 = arith.cmpf ogt, %gather3A_136, %select_n3A_132 : vector<16xf32>
      %gt3A_140 = arith.cmpf ogt, %gather3A_136, %select_n3A_129 : vector<16xf32>
      %select_n3A_141 = arith.select %gt3A_140, %gather3A_136, %select_n3A_129 : vector<16xi1>, vector<16xf32>
      %select_n3A_142 = arith.select %gt3A_139, %select_n3A_132, %select_n3A_141 : vector<16xi1>, vector<16xf32>
      %select_n3A_143 = arith.select %gt3A_140, %broadcast_in_dim3A_138, %select_n3A_131 : vector<16xi1>, vector<16xi32>
      %select_n3A_144 = arith.select %gt3A_139, %select_n3A_133, %select_n3A_143 : vector<16xi1>, vector<16xi32>
      %select_n3A_145 = arith.select %gt3A_139, %gather3A_136, %select_n3A_132 : vector<16xi1>, vector<16xf32>
      %select_n3A_146 = arith.select %gt3A_139, %broadcast_in_dim3A_138, %select_n3A_133 : vector<16xi1>, vector<16xi32>
      %broadcast_in_dim3A_147 = arith.constant 10 : i32
      %broadcast_in_dim3A_148 = vector.broadcast %broadcast_in_dim3A_147 : i32 to vector<16xi32>
      %gather3A_149 = tpu.vector_load_idx %arg4[%add3A_19, %broadcast_in_dim3A_148] : memref<512x16xf32, #tpu.memory_space<vmem>>[vector<16xi32>, vector<16xi32>], vector<16xf32>,
      %broadcast_in_dim3A_150 = arith.constant 10 : i32
      %broadcast_in_dim3A_151 = vector.broadcast %broadcast_in_dim3A_150 : i32 to vector<16xi32>
      %gt3A_152 = arith.cmpf ogt, %gather3A_149, %select_n3A_145 : vector<16xf32>
      %gt3A_153 = arith.cmpf ogt, %gather3A_149, %select_n3A_142 : vector<16xf32>
      %select_n3A_154 = arith.select %gt3A_153, %gather3A_149, %select_n3A_142 : vector<16xi1>, vector<16xf32>
      %select_n3A_155 = arith.select %gt3A_152, %select_n3A_145, %select_n3A_154 : vector<16xi1>, vector<16xf32>
      %select_n3A_156 = arith.select %gt3A_153, %broadcast_in_dim3A_151, %select_n3A_144 : vector<16xi1>, vector<16xi32>
      %select_n3A_157 = arith.select %gt3A_152, %select_n3A_146, %select_n3A_156 : vector<16xi1>, vector<16xi32>
      %select_n3A_158 = arith.select %gt3A_152, %gather3A_149, %select_n3A_145 : vector<16xi1>, vector<16xf32>
      %select_n3A_159 = arith.select %gt3A_152, %broadcast_in_dim3A_151, %select_n3A_146 : vector<16xi1>, vector<16xi32>
      %broadcast_in_dim3A_160 = arith.constant 11 : i32
      %broadcast_in_dim3A_161 = vector.broadcast %broadcast_in_dim3A_160 : i32 to vector<16xi32>
      %gather3A_162 = tpu.vector_load_idx %arg4[%add3A_19, %broadcast_in_dim3A_161] : memref<512x16xf32, #tpu.memory_space<vmem>>[vector<16xi32>, vector<16xi32>], vector<16xf32>,
      %broadcast_in_dim3A_163 = arith.constant 11 : i32
      %broadcast_in_dim3A_164 = vector.broadcast %broadcast_in_dim3A_163 : i32 to vector<16xi32>
      %gt3A_165 = arith.cmpf ogt, %gather3A_162, %select_n3A_158 : vector<16xf32>
      %gt3A_166 = arith.cmpf ogt, %gather3A_162, %select_n3A_155 : vector<16xf32>
      %select_n3A_167 = arith.select %gt3A_166, %gather3A_162, %select_n3A_155 : vector<16xi1>, vector<16xf32>
      %select_n3A_168 = arith.select %gt3A_165, %select_n3A_158, %select_n3A_167 : vector<16xi1>, vector<16xf32>
      %select_n3A_169 = arith.select %gt3A_166, %broadcast_in_dim3A_164, %select_n3A_157 : vector<16xi1>, vector<16xi32>
      %select_n3A_170 = arith.select %gt3A_165, %select_n3A_159, %select_n3A_169 : vector<16xi1>, vector<16xi32>
      %select_n3A_171 = arith.select %gt3A_165, %gather3A_162, %select_n3A_158 : vector<16xi1>, vector<16xf32>
      %select_n3A_172 = arith.select %gt3A_165, %broadcast_in_dim3A_164, %select_n3A_159 : vector<16xi1>, vector<16xi32>
      %broadcast_in_dim3A_173 = arith.constant 12 : i32
      %broadcast_in_dim3A_174 = vector.broadcast %broadcast_in_dim3A_173 : i32 to vector<16xi32>
      %gather3A_175 = tpu.vector_load_idx %arg4[%add3A_19, %broadcast_in_dim3A_174] : memref<512x16xf32, #tpu.memory_space<vmem>>[vector<16xi32>, vector<16xi32>], vector<16xf32>,
      %broadcast_in_dim3A_176 = arith.constant 12 : i32
      %broadcast_in_dim3A_177 = vector.broadcast %broadcast_in_dim3A_176 : i32 to vector<16xi32>
      %gt3A_178 = arith.cmpf ogt, %gather3A_175, %select_n3A_171 : vector<16xf32>
      %gt3A_179 = arith.cmpf ogt, %gather3A_175, %select_n3A_168 : vector<16xf32>
      %select_n3A_180 = arith.select %gt3A_179, %gather3A_175, %select_n3A_168 : vector<16xi1>, vector<16xf32>
      %select_n3A_181 = arith.select %gt3A_178, %select_n3A_171, %select_n3A_180 : vector<16xi1>, vector<16xf32>
      %select_n3A_182 = arith.select %gt3A_179, %broadcast_in_dim3A_177, %select_n3A_170 : vector<16xi1>, vector<16xi32>
      %select_n3A_183 = arith.select %gt3A_178, %select_n3A_172, %select_n3A_182 : vector<16xi1>, vector<16xi32>
      %select_n3A_184 = arith.select %gt3A_178, %gather3A_175, %select_n3A_171 : vector<16xi1>, vector<16xf32>
      %select_n3A_185 = arith.select %gt3A_178, %broadcast_in_dim3A_177, %select_n3A_172 : vector<16xi1>, vector<16xi32>
      %broadcast_in_dim3A_186 = arith.constant 13 : i32
      %broadcast_in_dim3A_187 = vector.broadcast %broadcast_in_dim3A_186 : i32 to vector<16xi32>
      %gather3A_188 = tpu.vector_load_idx %arg4[%add3A_19, %broadcast_in_dim3A_187] : memref<512x16xf32, #tpu.memory_space<vmem>>[vector<16xi32>, vector<16xi32>], vector<16xf32>,
      %broadcast_in_dim3A_189 = arith.constant 13 : i32
      %broadcast_in_dim3A_190 = vector.broadcast %broadcast_in_dim3A_189 : i32 to vector<16xi32>
      %gt3A_191 = arith.cmpf ogt, %gather3A_188, %select_n3A_184 : vector<16xf32>
      %gt3A_192 = arith.cmpf ogt, %gather3A_188, %select_n3A_181 : vector<16xf32>
      %select_n3A_193 = arith.select %gt3A_192, %gather3A_188, %select_n3A_181 : vector<16xi1>, vector<16xf32>
      %select_n3A_194 = arith.select %gt3A_191, %select_n3A_184, %select_n3A_193 : vector<16xi1>, vector<16xf32>
      %select_n3A_195 = arith.select %gt3A_192, %broadcast_in_dim3A_190, %select_n3A_183 : vector<16xi1>, vector<16xi32>
      %select_n3A_196 = arith.select %gt3A_191, %select_n3A_185, %select_n3A_195 : vector<16xi1>, vector<16xi32>
      %select_n3A_197 = arith.select %gt3A_191, %gather3A_188, %select_n3A_184 : vector<16xi1>, vector<16xf32>
      %select_n3A_198 = arith.select %gt3A_191, %broadcast_in_dim3A_190, %select_n3A_185 : vector<16xi1>, vector<16xi32>
      %broadcast_in_dim3A_199 = arith.constant 14 : i32
      %broadcast_in_dim3A_200 = vector.broadcast %broadcast_in_dim3A_199 : i32 to vector<16xi32>
      %gather3A_201 = tpu.vector_load_idx %arg4[%add3A_19, %broadcast_in_dim3A_200] : memref<512x16xf32, #tpu.memory_space<vmem>>[vector<16xi32>, vector<16xi32>], vector<16xf32>,
      %broadcast_in_dim3A_202 = arith.constant 14 : i32
      %broadcast_in_dim3A_203 = vector.broadcast %broadcast_in_dim3A_202 : i32 to vector<16xi32>
      %gt3A_204 = arith.cmpf ogt, %gather3A_201, %select_n3A_197 : vector<16xf32>
      %gt3A_205 = arith.cmpf ogt, %gather3A_201, %select_n3A_194 : vector<16xf32>
      %select_n3A_206 = arith.select %gt3A_205, %gather3A_201, %select_n3A_194 : vector<16xi1>, vector<16xf32>
      %select_n3A_207 = arith.select %gt3A_204, %select_n3A_197, %select_n3A_206 : vector<16xi1>, vector<16xf32>
      %select_n3A_208 = arith.select %gt3A_205, %broadcast_in_dim3A_203, %select_n3A_196 : vector<16xi1>, vector<16xi32>
      %select_n3A_209 = arith.select %gt3A_204, %select_n3A_198, %select_n3A_208 : vector<16xi1>, vector<16xi32>
      %select_n3A_210 = arith.select %gt3A_204, %gather3A_201, %select_n3A_197 : vector<16xi1>, vector<16xf32>
      %select_n3A_211 = arith.select %gt3A_204, %broadcast_in_dim3A_203, %select_n3A_198 : vector<16xi1>, vector<16xi32>
      %broadcast_in_dim3A_212 = arith.constant 15 : i32
      %broadcast_in_dim3A_213 = vector.broadcast %broadcast_in_dim3A_212 : i32 to vector<16xi32>
      %gather3A_214 = tpu.vector_load_idx %arg4[%add3A_19, %broadcast_in_dim3A_213] : memref<512x16xf32, #tpu.memory_space<vmem>>[vector<16xi32>, vector<16xi32>], vector<16xf32>,
      %broadcast_in_dim3A_215 = arith.constant 15 : i32
      %broadcast_in_dim3A_216 = vector.broadcast %broadcast_in_dim3A_215 : i32 to vector<16xi32>
      %gt3A_217 = arith.cmpf ogt, %gather3A_214, %select_n3A_210 : vector<16xf32>
      %gt3A_218 = arith.cmpf ogt, %gather3A_214, %select_n3A_207 : vector<16xf32>
      %select_n3A_219 = arith.select %gt3A_218, %gather3A_214, %select_n3A_207 : vector<16xi1>, vector<16xf32>
      %select_n3A_220 = arith.select %gt3A_217, %select_n3A_210, %select_n3A_219 : vector<16xi1>, vector<16xf32>
      %select_n3A_221 = arith.select %gt3A_218, %broadcast_in_dim3A_216, %select_n3A_209 : vector<16xi1>, vector<16xi32>
      %select_n3A_222 = arith.select %gt3A_217, %select_n3A_211, %select_n3A_221 : vector<16xi1>, vector<16xi32>
      %select_n3A_223 = arith.select %gt3A_217, %gather3A_214, %select_n3A_210 : vector<16xi1>, vector<16xf32>
      %select_n3A_224 = arith.select %gt3A_217, %broadcast_in_dim3A_216, %select_n3A_211 : vector<16xi1>, vector<16xi32>
      %eq3A = arith.constant 0 : i32
      %eq3A_225 = vector.broadcast %eq3A : i32 to vector<16xi32>
      %eq3A_226 = arith.cmpi eq, %select_n3A_224, %eq3A_225 : vector<16xi32>
      %select_n3A_227 = arith.select %eq3A_226, %broadcast_in_dim3A_7, %broadcast_in_dim3A_9 : vector<16xi1>, vector<16xf32>
      %mul3A_228 = arith.constant 16 : i32
      %mul3A_229 = arith.muli %scan3A_15, %mul3A_228 : i32
      %swap3A = arith.constant 0 : i32
      %swap3A_230 = arith.constant 0 : i32
      %swap3A_231 = arith.index_cast %swap3A : i32 to index
      %swap3A_232 = arith.index_cast %swap3A_230 : i32 to index
      %swap3A_233 = arith.index_cast %mul3A_229 : i32 to index
      %swap3A_234 = tpu.vector_load %arg5[%swap3A_231, %swap3A_232, %swap3A_233] {strides = array<i32>} : memref<16x2x512xf32, #tpu.memory_space<vmem>>, vector<16xf32>,
      tpu.vector_store %arg5[%swap3A_231, %swap3A_232, %swap3A_233], %select_n3A_227 {strides = array<i32>} : memref<16x2x512xf32, #tpu.memory_space<vmem>>, vector<16xf32>,
      %eq3A_235 = arith.constant 0 : i32
      %eq3A_236 = vector.broadcast %eq3A_235 : i32 to vector<16xi32>
      %eq3A_237 = arith.cmpi eq, %select_n3A_222, %eq3A_236 : vector<16xi32>
      %select_n3A_238 = arith.select %eq3A_237, %broadcast_in_dim3A_7, %broadcast_in_dim3A_9 : vector<16xi1>, vector<16xf32>
      %mul3A_239 = arith.constant 16 : i32
      %mul3A_240 = arith.muli %scan3A_15, %mul3A_239 : i32
      %swap3A_241 = arith.constant 0 : i32
      %swap3A_242 = arith.constant 1 : i32
      %swap3A_243 = arith.index_cast %swap3A_241 : i32 to index
      %swap3A_244 = arith.index_cast %swap3A_242 : i32 to index
      %swap3A_245 = arith.index_cast %mul3A_240 : i32 to index
      %swap3A_246 = tpu.vector_load %arg5[%swap3A_243, %swap3A_244, %swap3A_245] {strides = array<i32>} : memref<16x2x512xf32, #tpu.memory_space<vmem>>, vector<16xf32>,
      tpu.vector_store %arg5[%swap3A_243, %swap3A_244, %swap3A_245], %select_n3A_238 {strides = array<i32>} : memref<16x2x512xf32, #tpu.memory_space<vmem>>, vector<16xf32>,
      %eq3A_247 = arith.constant 1 : i32
      %eq3A_248 = vector.broadcast %eq3A_247 : i32 to vector<16xi32>
      %eq3A_249 = arith.cmpi eq, %select_n3A_224, %eq3A_248 : vector<16xi32>
      %select_n3A_250 = arith.select %eq3A_249, %broadcast_in_dim3A_7, %broadcast_in_dim3A_9 : vector<16xi1>, vector<16xf32>
      %mul3A_251 = arith.constant 16 : i32
      %mul3A_252 = arith.muli %scan3A_15, %mul3A_251 : i32
      %swap3A_253 = arith.constant 1 : i32
      %swap3A_254 = arith.constant 0 : i32
      %swap3A_255 = arith.index_cast %swap3A_253 : i32 to index
      %swap3A_256 = arith.index_cast %swap3A_254 : i32 to index
      %swap3A_257 = arith.index_cast %mul3A_252 : i32 to index
      %swap3A_258 = tpu.vector_load %arg5[%swap3A_255, %swap3A_256, %swap3A_257] {strides = array<i32>} : memref<16x2x512xf32, #tpu.memory_space<vmem>>, vector<16xf32>,
      tpu.vector_store %arg5[%swap3A_255, %swap3A_256, %swap3A_257], %select_n3A_250 {strides = array<i32>} : memref<16x2x512xf32, #tpu.memory_space<vmem>>, vector<16xf32>,
      %eq3A_259 = arith.constant 1 : i32
      %eq3A_260 = vector.broadcast %eq3A_259 : i32 to vector<16xi32>
      %eq3A_261 = arith.cmpi eq, %select_n3A_222, %eq3A_260 : vector<16xi32>
      %select_n3A_262 = arith.select %eq3A_261, %broadcast_in_dim3A_7, %broadcast_in_dim3A_9 : vector<16xi1>, vector<16xf32>
      %mul3A_263 = arith.constant 16 : i32
      %mul3A_264 = arith.muli %scan3A_15, %mul3A_263 : i32
      %swap3A_265 = arith.constant 1 : i32
      %swap3A_266 = arith.constant 1 : i32
      %swap3A_267 = arith.index_cast %swap3A_265 : i32 to index
      %swap3A_268 = arith.index_cast %swap3A_266 : i32 to index
      %swap3A_269 = arith.index_cast %mul3A_264 : i32 to index
      %swap3A_270 = tpu.vector_load %arg5[%swap3A_267, %swap3A_268, %swap3A_269] {strides = array<i32>} : memref<16x2x512xf32, #tpu.memory_space<vmem>>, vector<16xf32>,
      tpu.vector_store %arg5[%swap3A_267, %swap3A_268, %swap3A_269], %select_n3A_262 {strides = array<i32>} : memref<16x2x512xf32, #tpu.memory_space<vmem>>, vector<16xf32>,
      %eq3A_271 = arith.constant 2 : i32
      %eq3A_272 = vector.broadcast %eq3A_271 : i32 to vector<16xi32>
      %eq3A_273 = arith.cmpi eq, %select_n3A_224, %eq3A_272 : vector<16xi32>
      %select_n3A_274 = arith.select %eq3A_273, %broadcast_in_dim3A_7, %broadcast_in_dim3A_9 : vector<16xi1>, vector<16xf32>
      %mul3A_275 = arith.constant 16 : i32
      %mul3A_276 = arith.muli %scan3A_15, %mul3A_275 : i32
      %swap3A_277 = arith.constant 2 : i32
      %swap3A_278 = arith.constant 0 : i32
      %swap3A_279 = arith.index_cast %swap3A_277 : i32 to index
      %swap3A_280 = arith.index_cast %swap3A_278 : i32 to index
      %swap3A_281 = arith.index_cast %mul3A_276 : i32 to index
      %swap3A_282 = tpu.vector_load %arg5[%swap3A_279, %swap3A_280, %swap3A_281] {strides = array<i32>} : memref<16x2x512xf32, #tpu.memory_space<vmem>>, vector<16xf32>,
      tpu.vector_store %arg5[%swap3A_279, %swap3A_280, %swap3A_281], %select_n3A_274 {strides = array<i32>} : memref<16x2x512xf32, #tpu.memory_space<vmem>>, vector<16xf32>,
      %eq3A_283 = arith.constant 2 : i32
      %eq3A_284 = vector.broadcast %eq3A_283 : i32 to vector<16xi32>
      %eq3A_285 = arith.cmpi eq, %select_n3A_222, %eq3A_284 : vector<16xi32>
      %select_n3A_286 = arith.select %eq3A_285, %broadcast_in_dim3A_7, %broadcast_in_dim3A_9 : vector<16xi1>, vector<16xf32>
      %mul3A_287 = arith.constant 16 : i32
      %mul3A_288 = arith.muli %scan3A_15, %mul3A_287 : i32
      %swap3A_289 = arith.constant 2 : i32
      %swap3A_290 = arith.constant 1 : i32
      %swap3A_291 = arith.index_cast %swap3A_289 : i32 to index
      %swap3A_292 = arith.index_cast %swap3A_290 : i32 to index
      %swap3A_293 = arith.index_cast %mul3A_288 : i32 to index
      %swap3A_294 = tpu.vector_load %arg5[%swap3A_291, %swap3A_292, %swap3A_293] {strides = array<i32>} : memref<16x2x512xf32, #tpu.memory_space<vmem>>, vector<16xf32>,
      tpu.vector_store %arg5[%swap3A_291, %swap3A_292, %swap3A_293], %select_n3A_286 {strides = array<i32>} : memref<16x2x512xf32, #tpu.memory_space<vmem>>, vector<16xf32>,
      %eq3A_295 = arith.constant 3 : i32
      %eq3A_296 = vector.broadcast %eq3A_295 : i32 to vector<16xi32>
      %eq3A_297 = arith.cmpi eq, %select_n3A_224, %eq3A_296 : vector<16xi32>
      %select_n3A_298 = arith.select %eq3A_297, %broadcast_in_dim3A_7, %broadcast_in_dim3A_9 : vector<16xi1>, vector<16xf32>
      %mul3A_299 = arith.constant 16 : i32
      %mul3A_300 = arith.muli %scan3A_15, %mul3A_299 : i32
      %swap3A_301 = arith.constant 3 : i32
      %swap3A_302 = arith.constant 0 : i32
      %swap3A_303 = arith.index_cast %swap3A_301 : i32 to index
      %swap3A_304 = arith.index_cast %swap3A_302 : i32 to index
      %swap3A_305 = arith.index_cast %mul3A_300 : i32 to index
      %swap3A_306 = tpu.vector_load %arg5[%swap3A_303, %swap3A_304, %swap3A_305] {strides = array<i32>} : memref<16x2x512xf32, #tpu.memory_space<vmem>>, vector<16xf32>,
      tpu.vector_store %arg5[%swap3A_303, %swap3A_304, %swap3A_305], %select_n3A_298 {strides = array<i32>} : memref<16x2x512xf32, #tpu.memory_space<vmem>>, vector<16xf32>,
      %eq3A_307 = arith.constant 3 : i32
      %eq3A_308 = vector.broadcast %eq3A_307 : i32 to vector<16xi32>
      %eq3A_309 = arith.cmpi eq, %select_n3A_222, %eq3A_308 : vector<16xi32>
      %select_n3A_310 = arith.select %eq3A_309, %broadcast_in_dim3A_7, %broadcast_in_dim3A_9 : vector<16xi1>, vector<16xf32>
      %mul3A_311 = arith.constant 16 : i32
      %mul3A_312 = arith.muli %scan3A_15, %mul3A_311 : i32
      %swap3A_313 = arith.constant 3 : i32
      %swap3A_314 = arith.constant 1 : i32
      %swap3A_315 = arith.index_cast %swap3A_313 : i32 to index
      %swap3A_316 = arith.index_cast %swap3A_314 : i32 to index
      %swap3A_317 = arith.index_cast %mul3A_312 : i32 to index
      %swap3A_318 = tpu.vector_load %arg5[%swap3A_315, %swap3A_316, %swap3A_317] {strides = array<i32>} : memref<16x2x512xf32, #tpu.memory_space<vmem>>, vector<16xf32>,
      tpu.vector_store %arg5[%swap3A_315, %swap3A_316, %swap3A_317], %select_n3A_310 {strides = array<i32>} : memref<16x2x512xf32, #tpu.memory_space<vmem>>, vector<16xf32>,
      %eq3A_319 = arith.constant 4 : i32
      %eq3A_320 = vector.broadcast %eq3A_319 : i32 to vector<16xi32>
      %eq3A_321 = arith.cmpi eq, %select_n3A_224, %eq3A_320 : vector<16xi32>
      %select_n3A_322 = arith.select %eq3A_321, %broadcast_in_dim3A_7, %broadcast_in_dim3A_9 : vector<16xi1>, vector<16xf32>
      %mul3A_323 = arith.constant 16 : i32
      %mul3A_324 = arith.muli %scan3A_15, %mul3A_323 : i32
      %swap3A_325 = arith.constant 4 : i32
      %swap3A_326 = arith.constant 0 : i32
      %swap3A_327 = arith.index_cast %swap3A_325 : i32 to index
      %swap3A_328 = arith.index_cast %swap3A_326 : i32 to index
      %swap3A_329 = arith.index_cast %mul3A_324 : i32 to index
      %swap3A_330 = tpu.vector_load %arg5[%swap3A_327, %swap3A_328, %swap3A_329] {strides = array<i32>} : memref<16x2x512xf32, #tpu.memory_space<vmem>>, vector<16xf32>,
      tpu.vector_store %arg5[%swap3A_327, %swap3A_328, %swap3A_329], %select_n3A_322 {strides = array<i32>} : memref<16x2x512xf32, #tpu.memory_space<vmem>>, vector<16xf32>,
      %eq3A_331 = arith.constant 4 : i32
      %eq3A_332 = vector.broadcast %eq3A_331 : i32 to vector<16xi32>
      %eq3A_333 = arith.cmpi eq, %select_n3A_222, %eq3A_332 : vector<16xi32>
      %select_n3A_334 = arith.select %eq3A_333, %broadcast_in_dim3A_7, %broadcast_in_dim3A_9 : vector<16xi1>, vector<16xf32>
      %mul3A_335 = arith.constant 16 : i32
      %mul3A_336 = arith.muli %scan3A_15, %mul3A_335 : i32
      %swap3A_337 = arith.constant 4 : i32
      %swap3A_338 = arith.constant 1 : i32
      %swap3A_339 = arith.index_cast %swap3A_337 : i32 to index
      %swap3A_340 = arith.index_cast %swap3A_338 : i32 to index
      %swap3A_341 = arith.index_cast %mul3A_336 : i32 to index
      %swap3A_342 = tpu.vector_load %arg5[%swap3A_339, %swap3A_340, %swap3A_341] {strides = array<i32>} : memref<16x2x512xf32, #tpu.memory_space<vmem>>, vector<16xf32>,
      tpu.vector_store %arg5[%swap3A_339, %swap3A_340, %swap3A_341], %select_n3A_334 {strides = array<i32>} : memref<16x2x512xf32, #tpu.memory_space<vmem>>, vector<16xf32>,
      %eq3A_343 = arith.constant 5 : i32
      %eq3A_344 = vector.broadcast %eq3A_343 : i32 to vector<16xi32>
      %eq3A_345 = arith.cmpi eq, %select_n3A_224, %eq3A_344 : vector<16xi32>
      %select_n3A_346 = arith.select %eq3A_345, %broadcast_in_dim3A_7, %broadcast_in_dim3A_9 : vector<16xi1>, vector<16xf32>
      %mul3A_347 = arith.constant 16 : i32
      %mul3A_348 = arith.muli %scan3A_15, %mul3A_347 : i32
      %swap3A_349 = arith.constant 5 : i32
      %swap3A_350 = arith.constant 0 : i32
      %swap3A_351 = arith.index_cast %swap3A_349 : i32 to index
      %swap3A_352 = arith.index_cast %swap3A_350 : i32 to index
      %swap3A_353 = arith.index_cast %mul3A_348 : i32 to index
      %swap3A_354 = tpu.vector_load %arg5[%swap3A_351, %swap3A_352, %swap3A_353] {strides = array<i32>} : memref<16x2x512xf32, #tpu.memory_space<vmem>>, vector<16xf32>,
      tpu.vector_store %arg5[%swap3A_351, %swap3A_352, %swap3A_353], %select_n3A_346 {strides = array<i32>} : memref<16x2x512xf32, #tpu.memory_space<vmem>>, vector<16xf32>,
      %eq3A_355 = arith.constant 5 : i32
      %eq3A_356 = vector.broadcast %eq3A_355 : i32 to vector<16xi32>
      %eq3A_357 = arith.cmpi eq, %select_n3A_222, %eq3A_356 : vector<16xi32>
      %select_n3A_358 = arith.select %eq3A_357, %broadcast_in_dim3A_7, %broadcast_in_dim3A_9 : vector<16xi1>, vector<16xf32>
      %mul3A_359 = arith.constant 16 : i32
      %mul3A_360 = arith.muli %scan3A_15, %mul3A_359 : i32
      %swap3A_361 = arith.constant 5 : i32
      %swap3A_362 = arith.constant 1 : i32
      %swap3A_363 = arith.index_cast %swap3A_361 : i32 to index
      %swap3A_364 = arith.index_cast %swap3A_362 : i32 to index
      %swap3A_365 = arith.index_cast %mul3A_360 : i32 to index
      %swap3A_366 = tpu.vector_load %arg5[%swap3A_363, %swap3A_364, %swap3A_365] {strides = array<i32>} : memref<16x2x512xf32, #tpu.memory_space<vmem>>, vector<16xf32>,
      tpu.vector_store %arg5[%swap3A_363, %swap3A_364, %swap3A_365], %select_n3A_358 {strides = array<i32>} : memref<16x2x512xf32, #tpu.memory_space<vmem>>, vector<16xf32>,
      %eq3A_367 = arith.constant 6 : i32
      %eq3A_368 = vector.broadcast %eq3A_367 : i32 to vector<16xi32>
      %eq3A_369 = arith.cmpi eq, %select_n3A_224, %eq3A_368 : vector<16xi32>
      %select_n3A_370 = arith.select %eq3A_369, %broadcast_in_dim3A_7, %broadcast_in_dim3A_9 : vector<16xi1>, vector<16xf32>
      %mul3A_371 = arith.constant 16 : i32
      %mul3A_372 = arith.muli %scan3A_15, %mul3A_371 : i32
      %swap3A_373 = arith.constant 6 : i32
      %swap3A_374 = arith.constant 0 : i32
      %swap3A_375 = arith.index_cast %swap3A_373 : i32 to index
      %swap3A_376 = arith.index_cast %swap3A_374 : i32 to index
      %swap3A_377 = arith.index_cast %mul3A_372 : i32 to index
      %swap3A_378 = tpu.vector_load %arg5[%swap3A_375, %swap3A_376, %swap3A_377] {strides = array<i32>} : memref<16x2x512xf32, #tpu.memory_space<vmem>>, vector<16xf32>,
      tpu.vector_store %arg5[%swap3A_375, %swap3A_376, %swap3A_377], %select_n3A_370 {strides = array<i32>} : memref<16x2x512xf32, #tpu.memory_space<vmem>>, vector<16xf32>,
      %eq3A_379 = arith.constant 6 : i32
      %eq3A_380 = vector.broadcast %eq3A_379 : i32 to vector<16xi32>
      %eq3A_381 = arith.cmpi eq, %select_n3A_222, %eq3A_380 : vector<16xi32>
      %select_n3A_382 = arith.select %eq3A_381, %broadcast_in_dim3A_7, %broadcast_in_dim3A_9 : vector<16xi1>, vector<16xf32>
      %mul3A_383 = arith.constant 16 : i32
      %mul3A_384 = arith.muli %scan3A_15, %mul3A_383 : i32
      %swap3A_385 = arith.constant 6 : i32
      %swap3A_386 = arith.constant 1 : i32
      %swap3A_387 = arith.index_cast %swap3A_385 : i32 to index
      %swap3A_388 = arith.index_cast %swap3A_386 : i32 to index
      %swap3A_389 = arith.index_cast %mul3A_384 : i32 to index
      %swap3A_390 = tpu.vector_load %arg5[%swap3A_387, %swap3A_388, %swap3A_389] {strides = array<i32>} : memref<16x2x512xf32, #tpu.memory_space<vmem>>, vector<16xf32>,
      tpu.vector_store %arg5[%swap3A_387, %swap3A_388, %swap3A_389], %select_n3A_382 {strides = array<i32>} : memref<16x2x512xf32, #tpu.memory_space<vmem>>, vector<16xf32>,
      %eq3A_391 = arith.constant 7 : i32
      %eq3A_392 = vector.broadcast %eq3A_391 : i32 to vector<16xi32>
      %eq3A_393 = arith.cmpi eq, %select_n3A_224, %eq3A_392 : vector<16xi32>
      %select_n3A_394 = arith.select %eq3A_393, %broadcast_in_dim3A_7, %broadcast_in_dim3A_9 : vector<16xi1>, vector<16xf32>
      %mul3A_395 = arith.constant 16 : i32
      %mul3A_396 = arith.muli %scan3A_15, %mul3A_395 : i32
      %swap3A_397 = arith.constant 7 : i32
      %swap3A_398 = arith.constant 0 : i32
      %swap3A_399 = arith.index_cast %swap3A_397 : i32 to index
      %swap3A_400 = arith.index_cast %swap3A_398 : i32 to index
      %swap3A_401 = arith.index_cast %mul3A_396 : i32 to index
      %swap3A_402 = tpu.vector_load %arg5[%swap3A_399, %swap3A_400, %swap3A_401] {strides = array<i32>} : memref<16x2x512xf32, #tpu.memory_space<vmem>>, vector<16xf32>,
      tpu.vector_store %arg5[%swap3A_399, %swap3A_400, %swap3A_401], %select_n3A_394 {strides = array<i32>} : memref<16x2x512xf32, #tpu.memory_space<vmem>>, vector<16xf32>,
      %eq3A_403 = arith.constant 7 : i32
      %eq3A_404 = vector.broadcast %eq3A_403 : i32 to vector<16xi32>
      %eq3A_405 = arith.cmpi eq, %select_n3A_222, %eq3A_404 : vector<16xi32>
      %select_n3A_406 = arith.select %eq3A_405, %broadcast_in_dim3A_7, %broadcast_in_dim3A_9 : vector<16xi1>, vector<16xf32>
      %mul3A_407 = arith.constant 16 : i32
      %mul3A_408 = arith.muli %scan3A_15, %mul3A_407 : i32
      %swap3A_409 = arith.constant 7 : i32
      %swap3A_410 = arith.constant 1 : i32
      %swap3A_411 = arith.index_cast %swap3A_409 : i32 to index
      %swap3A_412 = arith.index_cast %swap3A_410 : i32 to index
      %swap3A_413 = arith.index_cast %mul3A_408 : i32 to index
      %swap3A_414 = tpu.vector_load %arg5[%swap3A_411, %swap3A_412, %swap3A_413] {strides = array<i32>} : memref<16x2x512xf32, #tpu.memory_space<vmem>>, vector<16xf32>,
      tpu.vector_store %arg5[%swap3A_411, %swap3A_412, %swap3A_413], %select_n3A_406 {strides = array<i32>} : memref<16x2x512xf32, #tpu.memory_space<vmem>>, vector<16xf32>,
      %eq3A_415 = arith.constant 8 : i32
      %eq3A_416 = vector.broadcast %eq3A_415 : i32 to vector<16xi32>
      %eq3A_417 = arith.cmpi eq, %select_n3A_224, %eq3A_416 : vector<16xi32>
      %select_n3A_418 = arith.select %eq3A_417, %broadcast_in_dim3A_7, %broadcast_in_dim3A_9 : vector<16xi1>, vector<16xf32>
      %mul3A_419 = arith.constant 16 : i32
      %mul3A_420 = arith.muli %scan3A_15, %mul3A_419 : i32
      %swap3A_421 = arith.constant 8 : i32
      %swap3A_422 = arith.constant 0 : i32
      %swap3A_423 = arith.index_cast %swap3A_421 : i32 to index
      %swap3A_424 = arith.index_cast %swap3A_422 : i32 to index
      %swap3A_425 = arith.index_cast %mul3A_420 : i32 to index
      %swap3A_426 = tpu.vector_load %arg5[%swap3A_423, %swap3A_424, %swap3A_425] {strides = array<i32>} : memref<16x2x512xf32, #tpu.memory_space<vmem>>, vector<16xf32>,
      tpu.vector_store %arg5[%swap3A_423, %swap3A_424, %swap3A_425], %select_n3A_418 {strides = array<i32>} : memref<16x2x512xf32, #tpu.memory_space<vmem>>, vector<16xf32>,
      %eq3A_427 = arith.constant 8 : i32
      %eq3A_428 = vector.broadcast %eq3A_427 : i32 to vector<16xi32>
      %eq3A_429 = arith.cmpi eq, %select_n3A_222, %eq3A_428 : vector<16xi32>
      %select_n3A_430 = arith.select %eq3A_429, %broadcast_in_dim3A_7, %broadcast_in_dim3A_9 : vector<16xi1>, vector<16xf32>
      %mul3A_431 = arith.constant 16 : i32
      %mul3A_432 = arith.muli %scan3A_15, %mul3A_431 : i32
      %swap3A_433 = arith.constant 8 : i32
      %swap3A_434 = arith.constant 1 : i32
      %swap3A_435 = arith.index_cast %swap3A_433 : i32 to index
      %swap3A_436 = arith.index_cast %swap3A_434 : i32 to index
      %swap3A_437 = arith.index_cast %mul3A_432 : i32 to index
      %swap3A_438 = tpu.vector_load %arg5[%swap3A_435, %swap3A_436, %swap3A_437] {strides = array<i32>} : memref<16x2x512xf32, #tpu.memory_space<vmem>>, vector<16xf32>,
      tpu.vector_store %arg5[%swap3A_435, %swap3A_436, %swap3A_437], %select_n3A_430 {strides = array<i32>} : memref<16x2x512xf32, #tpu.memory_space<vmem>>, vector<16xf32>,
      %eq3A_439 = arith.constant 9 : i32
      %eq3A_440 = vector.broadcast %eq3A_439 : i32 to vector<16xi32>
      %eq3A_441 = arith.cmpi eq, %select_n3A_224, %eq3A_440 : vector<16xi32>
      %select_n3A_442 = arith.select %eq3A_441, %broadcast_in_dim3A_7, %broadcast_in_dim3A_9 : vector<16xi1>, vector<16xf32>
      %mul3A_443 = arith.constant 16 : i32
      %mul3A_444 = arith.muli %scan3A_15, %mul3A_443 : i32
      %swap3A_445 = arith.constant 9 : i32
      %swap3A_446 = arith.constant 0 : i32
      %swap3A_447 = arith.index_cast %swap3A_445 : i32 to index
      %swap3A_448 = arith.index_cast %swap3A_446 : i32 to index
      %swap3A_449 = arith.index_cast %mul3A_444 : i32 to index
      %swap3A_450 = tpu.vector_load %arg5[%swap3A_447, %swap3A_448, %swap3A_449] {strides = array<i32>} : memref<16x2x512xf32, #tpu.memory_space<vmem>>, vector<16xf32>,
      tpu.vector_store %arg5[%swap3A_447, %swap3A_448, %swap3A_449], %select_n3A_442 {strides = array<i32>} : memref<16x2x512xf32, #tpu.memory_space<vmem>>, vector<16xf32>,
      %eq3A_451 = arith.constant 9 : i32
      %eq3A_452 = vector.broadcast %eq3A_451 : i32 to vector<16xi32>
      %eq3A_453 = arith.cmpi eq, %select_n3A_222, %eq3A_452 : vector<16xi32>
      %select_n3A_454 = arith.select %eq3A_453, %broadcast_in_dim3A_7, %broadcast_in_dim3A_9 : vector<16xi1>, vector<16xf32>
      %mul3A_455 = arith.constant 16 : i32
      %mul3A_456 = arith.muli %scan3A_15, %mul3A_455 : i32
      %swap3A_457 = arith.constant 9 : i32
      %swap3A_458 = arith.constant 1 : i32
      %swap3A_459 = arith.index_cast %swap3A_457 : i32 to index
      %swap3A_460 = arith.index_cast %swap3A_458 : i32 to index
      %swap3A_461 = arith.index_cast %mul3A_456 : i32 to index
      %swap3A_462 = tpu.vector_load %arg5[%swap3A_459, %swap3A_460, %swap3A_461] {strides = array<i32>} : memref<16x2x512xf32, #tpu.memory_space<vmem>>, vector<16xf32>,
      tpu.vector_store %arg5[%swap3A_459, %swap3A_460, %swap3A_461], %select_n3A_454 {strides = array<i32>} : memref<16x2x512xf32, #tpu.memory_space<vmem>>, vector<16xf32>,
      %eq3A_463 = arith.constant 10 : i32
      %eq3A_464 = vector.broadcast %eq3A_463 : i32 to vector<16xi32>
      %eq3A_465 = arith.cmpi eq, %select_n3A_224, %eq3A_464 : vector<16xi32>
      %select_n3A_466 = arith.select %eq3A_465, %broadcast_in_dim3A_7, %broadcast_in_dim3A_9 : vector<16xi1>, vector<16xf32>
      %mul3A_467 = arith.constant 16 : i32
      %mul3A_468 = arith.muli %scan3A_15, %mul3A_467 : i32
      %swap3A_469 = arith.constant 10 : i32
      %swap3A_470 = arith.constant 0 : i32
      %swap3A_471 = arith.index_cast %swap3A_469 : i32 to index
      %swap3A_472 = arith.index_cast %swap3A_470 : i32 to index
      %swap3A_473 = arith.index_cast %mul3A_468 : i32 to index
      %swap3A_474 = tpu.vector_load %arg5[%swap3A_471, %swap3A_472, %swap3A_473] {strides = array<i32>} : memref<16x2x512xf32, #tpu.memory_space<vmem>>, vector<16xf32>,
      tpu.vector_store %arg5[%swap3A_471, %swap3A_472, %swap3A_473], %select_n3A_466 {strides = array<i32>} : memref<16x2x512xf32, #tpu.memory_space<vmem>>, vector<16xf32>,
      %eq3A_475 = arith.constant 10 : i32
      %eq3A_476 = vector.broadcast %eq3A_475 : i32 to vector<16xi32>
      %eq3A_477 = arith.cmpi eq, %select_n3A_222, %eq3A_476 : vector<16xi32>
      %select_n3A_478 = arith.select %eq3A_477, %broadcast_in_dim3A_7, %broadcast_in_dim3A_9 : vector<16xi1>, vector<16xf32>
      %mul3A_479 = arith.constant 16 : i32
      %mul3A_480 = arith.muli %scan3A_15, %mul3A_479 : i32
      %swap3A_481 = arith.constant 10 : i32
      %swap3A_482 = arith.constant 1 : i32
      %swap3A_483 = arith.index_cast %swap3A_481 : i32 to index
      %swap3A_484 = arith.index_cast %swap3A_482 : i32 to index
      %swap3A_485 = arith.index_cast %mul3A_480 : i32 to index
      %swap3A_486 = tpu.vector_load %arg5[%swap3A_483, %swap3A_484, %swap3A_485] {strides = array<i32>} : memref<16x2x512xf32, #tpu.memory_space<vmem>>, vector<16xf32>,
      tpu.vector_store %arg5[%swap3A_483, %swap3A_484, %swap3A_485], %select_n3A_478 {strides = array<i32>} : memref<16x2x512xf32, #tpu.memory_space<vmem>>, vector<16xf32>,
      %eq3A_487 = arith.constant 11 : i32
      %eq3A_488 = vector.broadcast %eq3A_487 : i32 to vector<16xi32>
      %eq3A_489 = arith.cmpi eq, %select_n3A_224, %eq3A_488 : vector<16xi32>
      %select_n3A_490 = arith.select %eq3A_489, %broadcast_in_dim3A_7, %broadcast_in_dim3A_9 : vector<16xi1>, vector<16xf32>
      %mul3A_491 = arith.constant 16 : i32
      %mul3A_492 = arith.muli %scan3A_15, %mul3A_491 : i32
      %swap3A_493 = arith.constant 11 : i32
      %swap3A_494 = arith.constant 0 : i32
      %swap3A_495 = arith.index_cast %swap3A_493 : i32 to index
      %swap3A_496 = arith.index_cast %swap3A_494 : i32 to index
      %swap3A_497 = arith.index_cast %mul3A_492 : i32 to index
      %swap3A_498 = tpu.vector_load %arg5[%swap3A_495, %swap3A_496, %swap3A_497] {strides = array<i32>} : memref<16x2x512xf32, #tpu.memory_space<vmem>>, vector<16xf32>,
      tpu.vector_store %arg5[%swap3A_495, %swap3A_496, %swap3A_497], %select_n3A_490 {strides = array<i32>} : memref<16x2x512xf32, #tpu.memory_space<vmem>>, vector<16xf32>,
      %eq3A_499 = arith.constant 11 : i32
      %eq3A_500 = vector.broadcast %eq3A_499 : i32 to vector<16xi32>
      %eq3A_501 = arith.cmpi eq, %select_n3A_222, %eq3A_500 : vector<16xi32>
      %select_n3A_502 = arith.select %eq3A_501, %broadcast_in_dim3A_7, %broadcast_in_dim3A_9 : vector<16xi1>, vector<16xf32>
      %mul3A_503 = arith.constant 16 : i32
      %mul3A_504 = arith.muli %scan3A_15, %mul3A_503 : i32
      %swap3A_505 = arith.constant 11 : i32
      %swap3A_506 = arith.constant 1 : i32
      %swap3A_507 = arith.index_cast %swap3A_505 : i32 to index
      %swap3A_508 = arith.index_cast %swap3A_506 : i32 to index
      %swap3A_509 = arith.index_cast %mul3A_504 : i32 to index
      %swap3A_510 = tpu.vector_load %arg5[%swap3A_507, %swap3A_508, %swap3A_509] {strides = array<i32>} : memref<16x2x512xf32, #tpu.memory_space<vmem>>, vector<16xf32>,
      tpu.vector_store %arg5[%swap3A_507, %swap3A_508, %swap3A_509], %select_n3A_502 {strides = array<i32>} : memref<16x2x512xf32, #tpu.memory_space<vmem>>, vector<16xf32>,
      %eq3A_511 = arith.constant 12 : i32
      %eq3A_512 = vector.broadcast %eq3A_511 : i32 to vector<16xi32>
      %eq3A_513 = arith.cmpi eq, %select_n3A_224, %eq3A_512 : vector<16xi32>
      %select_n3A_514 = arith.select %eq3A_513, %broadcast_in_dim3A_7, %broadcast_in_dim3A_9 : vector<16xi1>, vector<16xf32>
      %mul3A_515 = arith.constant 16 : i32
      %mul3A_516 = arith.muli %scan3A_15, %mul3A_515 : i32
      %swap3A_517 = arith.constant 12 : i32
      %swap3A_518 = arith.constant 0 : i32
      %swap3A_519 = arith.index_cast %swap3A_517 : i32 to index
      %swap3A_520 = arith.index_cast %swap3A_518 : i32 to index
      %swap3A_521 = arith.index_cast %mul3A_516 : i32 to index
      %swap3A_522 = tpu.vector_load %arg5[%swap3A_519, %swap3A_520, %swap3A_521] {strides = array<i32>} : memref<16x2x512xf32, #tpu.memory_space<vmem>>, vector<16xf32>,
      tpu.vector_store %arg5[%swap3A_519, %swap3A_520, %swap3A_521], %select_n3A_514 {strides = array<i32>} : memref<16x2x512xf32, #tpu.memory_space<vmem>>, vector<16xf32>,
      %eq3A_523 = arith.constant 12 : i32
      %eq3A_524 = vector.broadcast %eq3A_523 : i32 to vector<16xi32>
      %eq3A_525 = arith.cmpi eq, %select_n3A_222, %eq3A_524 : vector<16xi32>
      %select_n3A_526 = arith.select %eq3A_525, %broadcast_in_dim3A_7, %broadcast_in_dim3A_9 : vector<16xi1>, vector<16xf32>
      %mul3A_527 = arith.constant 16 : i32
      %mul3A_528 = arith.muli %scan3A_15, %mul3A_527 : i32
      %swap3A_529 = arith.constant 12 : i32
      %swap3A_530 = arith.constant 1 : i32
      %swap3A_531 = arith.index_cast %swap3A_529 : i32 to index
      %swap3A_532 = arith.index_cast %swap3A_530 : i32 to index
      %swap3A_533 = arith.index_cast %mul3A_528 : i32 to index
      %swap3A_534 = tpu.vector_load %arg5[%swap3A_531, %swap3A_532, %swap3A_533] {strides = array<i32>} : memref<16x2x512xf32, #tpu.memory_space<vmem>>, vector<16xf32>,
      tpu.vector_store %arg5[%swap3A_531, %swap3A_532, %swap3A_533], %select_n3A_526 {strides = array<i32>} : memref<16x2x512xf32, #tpu.memory_space<vmem>>, vector<16xf32>,
      %eq3A_535 = arith.constant 13 : i32
      %eq3A_536 = vector.broadcast %eq3A_535 : i32 to vector<16xi32>
      %eq3A_537 = arith.cmpi eq, %select_n3A_224, %eq3A_536 : vector<16xi32>
      %select_n3A_538 = arith.select %eq3A_537, %broadcast_in_dim3A_7, %broadcast_in_dim3A_9 : vector<16xi1>, vector<16xf32>
      %mul3A_539 = arith.constant 16 : i32
      %mul3A_540 = arith.muli %scan3A_15, %mul3A_539 : i32
      %swap3A_541 = arith.constant 13 : i32
      %swap3A_542 = arith.constant 0 : i32
      %swap3A_543 = arith.index_cast %swap3A_541 : i32 to index
      %swap3A_544 = arith.index_cast %swap3A_542 : i32 to index
      %swap3A_545 = arith.index_cast %mul3A_540 : i32 to index
      %swap3A_546 = tpu.vector_load %arg5[%swap3A_543, %swap3A_544, %swap3A_545] {strides = array<i32>} : memref<16x2x512xf32, #tpu.memory_space<vmem>>, vector<16xf32>,
      tpu.vector_store %arg5[%swap3A_543, %swap3A_544, %swap3A_545], %select_n3A_538 {strides = array<i32>} : memref<16x2x512xf32, #tpu.memory_space<vmem>>, vector<16xf32>,
      %eq3A_547 = arith.constant 13 : i32
      %eq3A_548 = vector.broadcast %eq3A_547 : i32 to vector<16xi32>
      %eq3A_549 = arith.cmpi eq, %select_n3A_222, %eq3A_548 : vector<16xi32>
      %select_n3A_550 = arith.select %eq3A_549, %broadcast_in_dim3A_7, %broadcast_in_dim3A_9 : vector<16xi1>, vector<16xf32>
      %mul3A_551 = arith.constant 16 : i32
      %mul3A_552 = arith.muli %scan3A_15, %mul3A_551 : i32
      %swap3A_553 = arith.constant 13 : i32
      %swap3A_554 = arith.constant 1 : i32
      %swap3A_555 = arith.index_cast %swap3A_553 : i32 to index
      %swap3A_556 = arith.index_cast %swap3A_554 : i32 to index
      %swap3A_557 = arith.index_cast %mul3A_552 : i32 to index
      %swap3A_558 = tpu.vector_load %arg5[%swap3A_555, %swap3A_556, %swap3A_557] {strides = array<i32>} : memref<16x2x512xf32, #tpu.memory_space<vmem>>, vector<16xf32>,
      tpu.vector_store %arg5[%swap3A_555, %swap3A_556, %swap3A_557], %select_n3A_550 {strides = array<i32>} : memref<16x2x512xf32, #tpu.memory_space<vmem>>, vector<16xf32>,
      %eq3A_559 = arith.constant 14 : i32
      %eq3A_560 = vector.broadcast %eq3A_559 : i32 to vector<16xi32>
      %eq3A_561 = arith.cmpi eq, %select_n3A_224, %eq3A_560 : vector<16xi32>
      %select_n3A_562 = arith.select %eq3A_561, %broadcast_in_dim3A_7, %broadcast_in_dim3A_9 : vector<16xi1>, vector<16xf32>
      %mul3A_563 = arith.constant 16 : i32
      %mul3A_564 = arith.muli %scan3A_15, %mul3A_563 : i32
      %swap3A_565 = arith.constant 14 : i32
      %swap3A_566 = arith.constant 0 : i32
      %swap3A_567 = arith.index_cast %swap3A_565 : i32 to index
      %swap3A_568 = arith.index_cast %swap3A_566 : i32 to index
      %swap3A_569 = arith.index_cast %mul3A_564 : i32 to index
      %swap3A_570 = tpu.vector_load %arg5[%swap3A_567, %swap3A_568, %swap3A_569] {strides = array<i32>} : memref<16x2x512xf32, #tpu.memory_space<vmem>>, vector<16xf32>,
      tpu.vector_store %arg5[%swap3A_567, %swap3A_568, %swap3A_569], %select_n3A_562 {strides = array<i32>} : memref<16x2x512xf32, #tpu.memory_space<vmem>>, vector<16xf32>,
      %eq3A_571 = arith.constant 14 : i32
      %eq3A_572 = vector.broadcast %eq3A_571 : i32 to vector<16xi32>
      %eq3A_573 = arith.cmpi eq, %select_n3A_222, %eq3A_572 : vector<16xi32>
      %select_n3A_574 = arith.select %eq3A_573, %broadcast_in_dim3A_7, %broadcast_in_dim3A_9 : vector<16xi1>, vector<16xf32>
      %mul3A_575 = arith.constant 16 : i32
      %mul3A_576 = arith.muli %scan3A_15, %mul3A_575 : i32
      %swap3A_577 = arith.constant 14 : i32
      %swap3A_578 = arith.constant 1 : i32
      %swap3A_579 = arith.index_cast %swap3A_577 : i32 to index
      %swap3A_580 = arith.index_cast %swap3A_578 : i32 to index
      %swap3A_581 = arith.index_cast %mul3A_576 : i32 to index
      %swap3A_582 = tpu.vector_load %arg5[%swap3A_579, %swap3A_580, %swap3A_581] {strides = array<i32>} : memref<16x2x512xf32, #tpu.memory_space<vmem>>, vector<16xf32>,
      tpu.vector_store %arg5[%swap3A_579, %swap3A_580, %swap3A_581], %select_n3A_574 {strides = array<i32>} : memref<16x2x512xf32, #tpu.memory_space<vmem>>, vector<16xf32>,
      %eq3A_583 = arith.constant 15 : i32
      %eq3A_584 = vector.broadcast %eq3A_583 : i32 to vector<16xi32>
      %eq3A_585 = arith.cmpi eq, %select_n3A_224, %eq3A_584 : vector<16xi32>
      %select_n3A_586 = arith.select %eq3A_585, %broadcast_in_dim3A_7, %broadcast_in_dim3A_9 : vector<16xi1>, vector<16xf32>
      %mul3A_587 = arith.constant 16 : i32
      %mul3A_588 = arith.muli %scan3A_15, %mul3A_587 : i32
      %swap3A_589 = arith.constant 15 : i32
      %swap3A_590 = arith.constant 0 : i32
      %swap3A_591 = arith.index_cast %swap3A_589 : i32 to index
      %swap3A_592 = arith.index_cast %swap3A_590 : i32 to index
      %swap3A_593 = arith.index_cast %mul3A_588 : i32 to index
      %swap3A_594 = tpu.vector_load %arg5[%swap3A_591, %swap3A_592, %swap3A_593] {strides = array<i32>} : memref<16x2x512xf32, #tpu.memory_space<vmem>>, vector<16xf32>,
      tpu.vector_store %arg5[%swap3A_591, %swap3A_592, %swap3A_593], %select_n3A_586 {strides = array<i32>} : memref<16x2x512xf32, #tpu.memory_space<vmem>>, vector<16xf32>,
      %eq3A_595 = arith.constant 15 : i32
      %eq3A_596 = vector.broadcast %eq3A_595 : i32 to vector<16xi32>
      %eq3A_597 = arith.cmpi eq, %select_n3A_222, %eq3A_596 : vector<16xi32>
      %select_n3A_598 = arith.select %eq3A_597, %broadcast_in_dim3A_7, %broadcast_in_dim3A_9 : vector<16xi1>, vector<16xf32>
      %mul3A_599 = arith.constant 16 : i32
      %mul3A_600 = arith.muli %scan3A_15, %mul3A_599 : i32
      %swap3A_601 = arith.constant 15 : i32
      %swap3A_602 = arith.constant 1 : i32
      %swap3A_603 = arith.index_cast %swap3A_601 : i32 to index
      %swap3A_604 = arith.index_cast %swap3A_602 : i32 to index
      %swap3A_605 = arith.index_cast %mul3A_600 : i32 to index
      %swap3A_606 = tpu.vector_load %arg5[%swap3A_603, %swap3A_604, %swap3A_605] {strides = array<i32>} : memref<16x2x512xf32, #tpu.memory_space<vmem>>, vector<16xf32>,
      tpu.vector_store %arg5[%swap3A_603, %swap3A_604, %swap3A_605], %select_n3A_598 {strides = array<i32>} : memref<16x2x512xf32, #tpu.memory_space<vmem>>, vector<16xf32>,
    }
    %scan3A_14 = arith.constant 32 : i32
    "tpu.region"() ({
      %run_scoped3A = tpu.sem_alloc : memref<!tpu.dma_semaphore, #tpu.memory_space<semaphore_mem>>
      %dma_start3A = arith.constant 0 : i32
      %dma_start3A_15 = arith.constant 0 : i32
      %dma_start3A_16 = tpu.memref_slice %arg3[%dma_start3A, %dma_start3A_15, %mul3A_2] : memref<16x2x16384xf32, #tpu.memory_space<hbm>> -> memref<16x2x512xf32, #tpu.memory_space<hbm>>
      %dma_start3A_17 = arith.constant 0 : i32
      %dma_start3A_18 = arith.constant 0 : i32
      %dma_start3A_19 = tpu.memref_slice %arg3[%dma_start3A_17, %dma_start3A_18, %mul3A_2] : memref<16x2x16384xf32, #tpu.memory_space<hbm>> -> memref<16x2x512xf32, #tpu.memory_space<hbm>>
      tpu.enqueue_dma source(%arg5 : memref<16x2x512xf32, #tpu.memory_space<vmem>>) target(%dma_start3A_19 : memref<16x2x512xf32, #tpu.memory_space<hbm>>) target_semaphore(%run_scoped3A : memref<!tpu.dma_semaphore, #tpu.memory_space<semaphore_mem>>)
      %dma_wait3A = arith.constant 0 : i32
      %dma_wait3A_20 = arith.constant 0 : i32
      %dma_wait3A_21 = tpu.memref_slice %arg3[%dma_wait3A, %dma_wait3A_20, %mul3A_2] : memref<16x2x16384xf32, #tpu.memory_space<hbm>> -> memref<16x2x512xf32, #tpu.memory_space<hbm>>
      %dma_wait3A_22 = arith.constant 0 : i32
      %dma_wait3A_23 = arith.constant 0 : i32
      %dma_wait3A_24 = tpu.memref_slice %arg3[%dma_wait3A_22, %dma_wait3A_23, %mul3A_2] : memref<16x2x16384xf32, #tpu.memory_space<hbm>> -> memref<16x2x512xf32, #tpu.memory_space<hbm>>
      tpu.wait_dma2 semaphore(%run_scoped3A : memref<!tpu.dma_semaphore, #tpu.memory_space<semaphore_mem>>) src(%arg5 : memref<16x2x512xf32, #tpu.memory_space<vmem>>) dst(%dma_wait3A_24 : memref<16x2x512xf32, #tpu.memory_space<hbm>>)
      tpu.yield
    }) : () -> ()
    return
  }
}

module attributes {stable_mosaic.version = 14 : i64} {
  func.func @_logits_body(%arg0: i32, %arg1: memref<1024x2048xf32, #tpu.memory_space<vmem>>, %arg2: memref<16x2048xf32, #tpu.memory_space<vmem>>, %arg3: memref<1024x16xf32, #tpu.memory_space<vmem>>) attributes {dimension_semantics = [#tpu.dimension_semantics<arbitrary>], iteration_bounds = array<i64: 16>, scalar_prefetch = 0 : i64, scratch_operands = 0 : i64, tpu.core_type = #tpu.core_type<tc>, window_params = [{transform_indices = @transform_0, window_bounds = array<i64: 1024, 2048>}, {pipeline_mode = #tpu.pipeline_mode<synchronous>, transform_indices = @transform_1, window_bounds = array<i64: 16, 2048>}, {transform_indices = @transform_2, window_bounds = array<i64: 1024, 16>}]} {
    %get3A = arith.constant 0 : index
    %get3A_0 = arith.constant 0 : index
    %get3A_1 = vector.load %arg1[%get3A, %get3A_0] : memref<1024x2048xf32, #tpu.memory_space<vmem>>, vector<1024x2048xf32>
    %get3A_2 = arith.constant 0 : index
    %get3A_3 = arith.constant 0 : index
    %get3A_4 = vector.load %arg2[%get3A_2, %get3A_3] : memref<16x2048xf32, #tpu.memory_space<vmem>>, vector<16x2048xf32>
    %dot_general3A = arith.constant dense<0.000000e+00> : vector<1024x16xf32>
    %dot_general3A_5 = tpu.matmul %get3A_1, %get3A_4, %dot_general3A {dimension_numbers = #tpu.dot_dimension_numbers<[1], [1], [0], [0], [0, 0, 1, 0], [], []>, transpose_lhs_hint = false} : vector<1024x2048xf32>, vector<16x2048xf32>, vector<1024x16xf32> -> vector<1024x16xf32>
    %swap3A = arith.constant 0 : index
    %swap3A_6 = arith.constant 0 : index
    %swap3A_7 = vector.load %arg3[%swap3A, %swap3A_6] : memref<1024x16xf32, #tpu.memory_space<vmem>>, vector<1024x16xf32>
    tpu.vector_store %arg3[%swap3A, %swap3A_6], %dot_general3A_5 {strides = array<i32>} : memref<1024x16xf32, #tpu.memory_space<vmem>>, vector<1024x16xf32>,
    return
  }
  func.func @transform_0(%arg0: i32) -> (i32, i32) {
    %add3A = arith.constant 0 : i32
    %add3A_0 = arith.addi %arg0, %add3A : i32
    %c0_i32 = arith.constant 0 : i32
    %c0_i32_1 = arith.constant 0 : i32
    return %add3A_0, %c0_i32 : i32, i32
  }
  func.func @transform_1(%arg0: i32) -> (i32, i32) {
    %c0_i32 = arith.constant 0 : i32
    %c0_i32_0 = arith.constant 0 : i32
    %c0_i32_1 = arith.constant 0 : i32
    return %c0_i32, %c0_i32_0 : i32, i32
  }
  func.func @transform_2(%arg0: i32) -> (i32, i32) {
    %c0_i32 = arith.constant 0 : i32
    %c0_i32_0 = arith.constant 0 : i32
    return %arg0, %c0_i32 : i32, i32
  }
}

module attributes {stable_mosaic.version = 14 : i64} {
  func.func @_fill_body(%arg0: i32, %arg1: memref<8x16xf32, #tpu.memory_space<vmem>>, %arg2: memref<2048x2048xf32, #tpu.memory_space<vmem>>) attributes {dimension_semantics = [#tpu.dimension_semantics<arbitrary>], iteration_bounds = array<i64: 8>, scalar_prefetch = 0 : i64, scratch_operands = 0 : i64, tpu.core_type = #tpu.core_type<tc>, window_params = [{transform_indices = @transform_0, window_bounds = array<i64: 8, 16>}, {transform_indices = @transform_1, window_bounds = array<i64: 2048, 2048>}]} {
    %broadcast_in_dim3A = arith.constant 0.000000e+00 : f32
    %broadcast_in_dim3A_0 = vector.broadcast %broadcast_in_dim3A : f32 to vector<2048x2048xf32>
    %swap3A = arith.constant 0 : index
    %swap3A_1 = arith.constant 0 : index
    %swap3A_2 = vector.load %arg2[%swap3A, %swap3A_1] : memref<2048x2048xf32, #tpu.memory_space<vmem>>, vector<2048x2048xf32>
    tpu.vector_store %arg2[%swap3A, %swap3A_1], %broadcast_in_dim3A_0 {strides = array<i32>} : memref<2048x2048xf32, #tpu.memory_space<vmem>>, vector<2048x2048xf32>,
    return
  }
  func.func @transform_0(%arg0: i32) -> (i32, i32) {
    %c0_i32 = arith.constant 0 : i32
    %c0_i32_0 = arith.constant 0 : i32
    %c0_i32_1 = arith.constant 0 : i32
    return %c0_i32, %c0_i32_0 : i32, i32
  }
  func.func @transform_1(%arg0: i32) -> (i32, i32) {
    %c0_i32 = arith.constant 0 : i32
    %c0_i32_0 = arith.constant 0 : i32
    return %arg0, %c0_i32 : i32, i32
  }
}

</mosaic_0001>

<sc_bundles>
// kernel: kernel.5.cloned.1.call-start
scs
__scs_entry_jumppad:
0x0: {  	(pc) =	sbr.rel $0x88, $3  }
0x1: {  	(tag) =	ssettag $0x0;
	lr =	simm.s32 $0x1  }
0x2: {  	[smem:$0x3F9F] =	sst lr;
	_ =	strace $0xD0000000  }
0x3: {  	_ = 	snop  }
0x4: {  	_ = 	snop  }
0x5: {  	_ = 	snop  }
0x6: {  	_ = 	snop  }
0x7: {  	_ = 	snop  }
__scs_overlays_trampoline_lowered:
0x8: {  	[smem:$0x3FAE] =	sst s0  }
0x9: {  	[smem:$0x3FAF] =	sst s1  }
0xa: {  	[smem:$0x3FB0] =	sst s2  }
0xb: {  	[smem:$0x3FB1] =	sst s3  }
0xc: {  	[smem:$0x3FB2] =	sst s4  }
0xd: {  	[smem:$0x3FB3] =	sst s5  }
0xe: {  	[smem:$0x3FB4] =	sst s6  }
0xf: {  	[smem:$0x3FB5] =	sst s7  }
0x10: {  	[smem:$0x3FB6] =	sst s8  }
0x11: {  	[smem:$0x3FB7] =	sst s9;
	s0 =	simm.s32 @!p0 $0x0  }
0x12: {  	s1 =	sld [smem:$0x3F9D];
	s0 =	simm.s32 @p0 $0x1  }
0x13: {  	[smem:$0x3FB8] =	sst s0;
	s0 =	simm.s32 @!p1 $0x0  }
0x14: {  	s2 =	sld [smem:$0x3F9C];
	s0 =	simm.s32 @p1 $0x1  }
0x15: {  	[smem:$0x3FB9] =	sst s0;
	s0 =	simm.s32 @!p2 $0x0  }
0x16: {  	s3 =	sld [smem:$0x3FDB];
	s0 =	simm.s32 @p2 $0x1  }
0x17: {  	s4 =	simm.s32 $0x1BF5;
	[smem:$0x3FBB] =	sst s0  }
0x18: {  	s0 =	sld [smem:$0x3F9E];
	_ =	swait.ge [sflag:s4], $0x0  }
0x19: {  	s7 =	sld [smem:$0x3F9F]  }
0x1a: {  	s8 =	sadd.s32 $0xFFFFE003, lr  }
0x1b: {  	s9 =	sadd.s32 $0xFFFFFEF7, lr;
	s5 =	simm.s32 $0xFFFFFFFF;
	p2 =	slt.u32 s8, $0xFFFFF086  }
0x1c: {  	p1 =	slt.u32 s9, $0xF7A;
	s5 =	simm.s32 @!p2 $0x0  }
0x1d: {  	s5 =	simm.s32 @p1 $0x1;
	p0 =	seq.s32 s7, s2  }
0x1e: {  	s7 =	smul.u32 @!p0 $0xF7A, s2;
	p2 =	seq.s32 @!p0 s5, $0x0  }
0x1f: {  	s9 =	smul.u32 $0xF7A, s1;
	s8 =	simm.s32 @!p0 $0x1BF5;
	p2 =	por !p2, p0  }
0x20: {  	[sflag:s8] =	ssyncset.s32 @!p0 $0xFFFFF086;
	s6 =	sadd.s32 @!p0 s3, s7;
	s7 =	simm.s32 @!p0 $0x108  }
0x21: {  	s3 =	sadd.s32 s3, s9;
	s6 =	sadd.s32 @!p0 $0x88, s6;
	s7 =	simm.s32 @p2 $0x1082  }
0x22: {  	[simem:s7], [sflag:s8] =	dma.local @!p0 [hbm:s6], $0xF7A  }
0x23: {  	s9 =	sor.u32 $0xD0000000, s2;
	s6 =	simm.s32 $0x108;
	_ =	swait.ge @!p0 [sflag:s8], $0x0  }
0x24: {  	s3 =	sadd.s32 $0x88, s3;
	s6 =	simm.s32 @!p1 $0x1082;
	[sflag:s4] =	ssyncset.s32 $0xFFFFF086  }
0x25: {  	[simem:s6], [sflag:s4] =	dma.local [hbm:s3], $0xF7A  }
0x26: {  	[smem:$0x3F9F] =	sst s1;
	(tag) =	ssettag s2;
	_ =	strace s9  }
0x27: {  	s1 =	sld [smem:$0x3FAF]  }
0x28: {  	s2 =	sld [smem:$0x3FB0]  }
0x29: {  	s4 =	sld [smem:$0x3FB2]  }
0x2a: {  	p0 =	seq.s32 s5, $0x0;
	s5 =	sld [smem:$0x3FB3]  }
0x2b: {  	s6 =	sld [smem:$0x3FB4]  }
0x2c: {  	s7 =	sld [smem:$0x3FB5]  }
0x2d: {  	s3 =	simm.s32 $0x108;
	s8 =	sld [smem:$0x3FB6]  }
0x2e: {  	s3 =	simm.s32 @!p0 $0x1082;
	s9 =	sld [smem:$0x3FB7]  }
0x2f: {  	lr =	sadd.s32 s0, s3;
	s0 =	sld [smem:$0x3FAE]  }
0x30: {  	s3 =	sld [smem:$0x3FB1]  }
0x31: {  	[smem:$0x3FBA] =	sst s10  }
0x32: {  	s10 =	sld [smem:$0x3FB8];
	_ =	sdelay $0x3  }
0x33: {  	p0 =	seq.s32 s10, $0x1;
	s10 =	sld [smem:$0x3FBA];
	_ =	sdelay $0x3  }
0x34: {  	[smem:$0x3FBA] =	sst s10  }
0x35: {  	s10 =	sld [smem:$0x3FB9];
	_ =	sdelay $0x3  }
0x36: {  	p1 =	seq.s32 s10, $0x1;
	s10 =	sld [smem:$0x3FBA];
	_ =	sdelay $0x3  }
0x37: {  	[smem:$0x3FBA] =	sst s10  }
0x38: {  	s10 =	sld [smem:$0x3FBB]  }
0x39: {  	_ = 	snop;
	(pc) =	sbr.ind lr, $3  }
0x3a: {  	_ = 	snop  }
0x3b: {  	_ = 	snop  }
0x3c: {  	p2 =	seq.s32 s10, $0x1;
	s10 =	sld [smem:$0x3FBA]  }
0x3d: {  	_ =	shalt  }
0x3e: {  	_ =	shalt  }
0x3f: {  	_ =	shalt  }
0x40: {  	_ =	shalt  }
0x41: {  	_ =	shalt  }
0x42: {  	_ =	shalt  }
0x43: {  	_ =	shalt  }
0x44: {  	_ =	shalt  }
0x45: {  	_ =	shalt  }
0x46: {  	_ =	shalt  }
0x47: {  	_ =	shalt  }
0x48: {  	_ =	shalt  }
0x49: {  	_ =	shalt  }
0x4a: {  	_ =	shalt  }
0x4b: {  	_ =	shalt  }
0x4c: {  	_ =	shalt  }
0x4d: {  	_ =	shalt  }
0x4e: {  	_ =	shalt  }
0x4f: {  	_ =	shalt  }
0x50: {  	_ =	shalt  }
0x51: {  	_ =	shalt  }
0x52: {  	_ =	shalt  }
0x53: {  	_ =	shalt  }
0x54: {  	_ =	shalt  }
0x55: {  	_ =	shalt  }
0x56: {  	_ =	shalt  }
0x57: {  	_ =	shalt  }
0x58: {  	_ =	shalt  }
0x59: {  	_ =	shalt  }
0x5a: {  	_ =	shalt  }
0x5b: {  	_ =	shalt  }
0x5c: {  	_ =	shalt  }
0x5d: {  	_ =	shalt  }
0x5e: {  	_ =	shalt  }
0x5f: {  	_ =	shalt  }
0x60: {  	_ =	shalt  }
0x61: {  	_ =	shalt  }
0x62: {  	_ =	shalt  }
0x63: {  	_ =	shalt  }
0x64: {  	_ =	shalt  }
0x65: {  	_ =	shalt  }
0x66: {  	_ =	shalt  }
0x67: {  	_ =	shalt  }
0x68: {  	_ =	shalt  }
0x69: {  	_ =	shalt  }
0x6a: {  	_ =	shalt  }
0x6b: {  	_ =	shalt  }
0x6c: {  	_ =	shalt  }
0x6d: {  	_ =	shalt  }
0x6e: {  	_ =	shalt  }
0x6f: {  	_ =	shalt  }
0x70: {  	_ =	shalt  }
0x71: {  	_ =	shalt  }
0x72: {  	_ =	shalt  }
0x73: {  	_ =	shalt  }
0x74: {  	_ =	shalt  }
0x75: {  	_ =	shalt  }
0x76: {  	_ =	shalt  }
0x77: {  	_ =	shalt  }
0x78: {  	_ =	shalt  }
0x79: {  	_ =	shalt  }
0x7a: {  	_ =	shalt  }
0x7b: {  	_ =	shalt  }
0x7c: {  	_ =	shalt  }
0x7d: {  	_ =	shalt  }
0x7e: {  	_ =	shalt  }
0x7f: {  	_ =	shalt  }
0x80: {  	_ =	shalt  }
0x81: {  	_ =	shalt  }
0x82: {  	_ =	shalt  }
0x83: {  	_ =	shalt  }
0x84: {  	_ =	shalt  }
0x85: {  	_ =	shalt  }
0x86: {  	_ =	shalt  }
0x87: {  	_ =	shalt  }
.Lfunc_end0:
.L_simem_size_0:
called_computation_lowered:
.L_overlay_start_0:
0x88: {  	s2 =	sld [smem:$0x3FD9]  }
0x89: {  	s3 =	sld [smem:$0x3FFE];
	_ =	sdelay $0x1  }
0x8a: {  	s1 =	srdreg.scid  }
0x8b: {  	s0 =	sand.u32 $0x1, s1  }
0x8c: {  	s14 =	sshll.u32 s0, $0xA;
	s2 =	sadd.s32 s3, s2  }
0x8d: {  	s2 =	sadd.s32 s2, s14  }
0x8e: {  	[smem:$0x3FC6] =	sst s2  }
0x8f: {  	_ = 	snop  }
0x90: {  	s2 =	sld [smem:$0x3FD0];
	_ =	sdelay $0x2  }
0x91: {  	s15 =	simm.s32 $0xA;
	s4 =	simm.s32 $0x10  }
0x92: {  	[smem:s4], [sflag:s15] =	dma.local [hbm:s2], $0x1  }
0x93: {  	_ =	swait.eq [sflag:s15], $0x1  }
0x94: {  	[sflag:s15] =	ssyncset.done $0x0  }
0x95: {  	[sflag:s15] =	ssyncadd.s32 $0xFFFFFFFF  }
0x96: {  	s16 =	sld [smem:$0x11];
	(tm) =	ssettm $0x1  }
0x97: {  	s17 =	sld [smem:$0x3FFB];
	_ =	sdelay $0x3  }
0x98: {  	_ =	strace s17  }
0x99: {  	s3 =	sld [smem:$0x3FFC];
	_ =	sdelay $0x3  }
0x9a: {  	_ =	strace s3  }
0x9b: {  	s3 =	sld [smem:$0x3FFD];
	_ =	sdelay $0x3  }
0x9c: {  	_ =	strace s3  }
0x9d: {  	_ =	strace $0x8FFFFFFF  }
0x9e: {  	s18 =	sld [smem:$0x3FDB];
	_ =	sdelay $0x1  }
0x9f: {  	s19 =	simm.s32 $_scs_section_size  }
0xa0: {  	s5 =	simm.s32 $_size__tile_overlayer_lowered;
	s6 =	simm.s32 $_tile_overlayer_lowered  }
0xa1: {  	s22 =	simm.s32 $0x1BFF;
	s21 =	sshll.u32 s6, $0x1;
	s3 =	sadd.s32 s19, s18  }
0xa2: {  	s7 =	simm.s32 $0x0;
	s20 =	sshll.u32 s5, $0x1;
	s5 =	sadd.s32 s21, s3  }
0xa3: {  	[timem:s7], [sflag:s22] =	dma.local [hbm:s5], s20  }
0xa4: {  	_ =	swait.ge [sflag:s22], s20  }
0xa5: {  	s4 =	ssub.s32 $0x0, s20;
	[sflag:s22] =	ssyncset.done $0x0  }
0xa6: {  	[sflag:s22] =	ssyncadd.s32 s4;
	_ =	sdelay $0x1  }
0xa7: {  	s23 =	simm.s32 $0x1B8B  }
0xa8: {  	_ =	swait.ge [sflag:s23], $0x1  }
0xa9: {  	[sflag:s23] =	ssyncset.done $0x0  }
0xaa: {  	s25 =	simm.s32 $0x1B8E;
	s24 =	sld [smem:$0x3FFE];
	[sflag:s23] =	ssyncadd.s32 $0xFFFFFFFF  }
0xab: {  	s26 =	simm.s32 $execute0_lowered;
	[smem:$0x3FD2] =	sst s25  }
0xac: {  	s5 =	sshll.u32 s26, $0x1;
	_ =	strace $0x80000046;
	[dreg:$0x1] =	wrdreg $0xFFFFFFFF  }
0xad: {  	s28 =	simm.s32 $_size_execute0_lowered;
	s3 =	sadd.s32 s3, s5;
	[dreg:$0x0] =	wrdreg $0x0  }
0xae: {  	s5 =	sshll.u32 s28, $0x1;
	[dreg:$0x2] =	wrdreg s3  }
0xaf: {  	[dreg:$0x3] =	wrdreg s5  }
0xb0: {  	[dreg:$0x4] =	wrdreg $0xC0  }
0xb1: {  	_ =	task [dreg:s7], $0x5FFFF  }
0xb2: {  	[dreg:$0x1] =	wrdreg $0xFFFFFFFF  }
0xb3: {  	[dreg:$0x0] =	wrdreg $0x60  }
0xb4: {  	[dreg:$0x2] =	wrdreg s24  }
0xb5: {  	[dreg:$0x3] =	wrdreg s16  }
0xb6: {  	[dreg:$0x4] =	wrdreg $0x9  }
0xb7: {  	_ =	task.clear_ibuf [dreg:s7], $0x5FFFF;
	_ =	strace $0x90000046  }
0xb8: {  	s29 =	simm.s32 $0x9;
	_ =	strace $0x80000048  }
0xb9: {  	_ =	swait.ge [sflag:s29], $0x1  }
0xba: {  	[sflag:s29] =	ssyncadd.s32 $0xFFFFFFFF  }
0xbb: {  	_ =	strace $0x90000048  }
0xbc: {  	_ =	sfence  }
0xbd: {  	s30 =	sld [smem:$0x0];
	_ =	sdelay $0x2  }
0xbe: {  	s31 =	sshll.u32 s1, $0xD;
	s1 =	sshrl.u32 s1, $0x2  }
0xbf: {  	s3 =	sand.u32 $0x4000, s31;
	s1 =	sadd.s32 s1, s30  }
0xc0: {  	s0 =	sor.u32 s3, s0;
	s1 =	sshll.u32 s1, $0x11  }
0xc1: {  	s0 =	sor.u32 s1, s0  }
0xc2: {  	s0 =	sadd.s32 $0x8F2B, s0  }
0xc3: {  	[sflag:s0] =	ssyncadd.remote.s32 $0x1  }
0xc4: {  	_ =	sfence.sel $0xFFFF  }
0xc5: {  	[dreg:$0x0] =	wrdreg $0xFFFFFFFF;
	(pc) =	sbr.abs _section_cstart, $3  }
0xc6: {  	[dreg:$0x1] =	wrdreg $0xFFFFFFFF  }
0xc7: {  	_ =	task.clear_ibuf [dreg:s7], $0x2FFFF;
	_ =	strace $0x9FFFFFFF  }
0xc8: {  	(tm) =	ssettm $0x7FFFFFFF  }
0xc9: {  	_ =	shalt  }
tec
execute0_lowered:
.L_overlay_start_1:
0x0: {  	(tag) =	ssettag $0x1  }
0x1: {  	s3 =	rddreg [dreg:$0x0]  }
0x2: {  	s4 =	rddreg [dreg:$0x1];
	s2 =	srdreg.scid  }
0x3: {  	s0 =	rddreg [dreg:$0x2];
	s1 =	stileid.u32  }
0x4: {  	s8 =	simm.s32 $0x8000;
	s9 =	simm.s32 $0x10000;
	s10 =	simm.s32 $0x0  }
0x5: {  	s5 =	sand.u32 $0x1, s2;
	s2 =	simm.s32 $0x0;
	s6 =	sshll.u32 s1, $0xA  }
0x6: {  	s7 =	sshll.u32 s5, $0x9;
	[smem:$0x7FF] =	sst s2;
	s5 =	ssub.s32 $0x2, s5  }
0x7: {  	s6 =	sor.u32 s7, s6;
	_ =	strace $0x80000047;
	s31 =	sshrl.u32 s5, $0x1  }
0x8: {  	s7 =	sshll.u32 s6, $0x4;
	s6 =	sshrl.u32 s6, $0x2;
	s5 =	ssub.s32 s5, s31  }
0x9: {  	v0 =	vlaneseq.u32;
	s3 =	sadd.s32 s7, s3;
	s4 =	sadd.s32 s4, s6;
	s5 =	smax.u32 s5, $0x1  }
0xa: {  	v1 =	vimm.s32 $0x0;
	v2 =	vimm.f32 $0.0e+00;
	v0 =	vmul.u32 $0x80, v0;
	s6 =	simm.s32 $0x1;
	s7 =	simm.s32 $0x400;
	s3 =	sadd.s32 $0xA00, s3  }
.LBB2_1:
0xb: {  	[tilespmem:s2], [sflag:$0x1] =	stream.linear.gather [hbm4b:s3+s2], $0x10000, $0x38;
	[tilespmem:$0x14000] =	vst v63  }
0xc: {  	_ =	swait.ge [sflag:s6], $0x10000  }
0xd: {  	[sflag:s6] =	ssyncset.done $0x0  }
0xe: {  	s11 =	simm.s32 $0x0;
	s12 =	simm.s32 $0x0;
	[sflag:s6] =	ssyncadd.s32 $0xFFFF0000  }
.LBB2_2:
0xf: {  	v3 =	vmov s12  }
0x10: {  	v3 =	vshll.u32 v3, $0x7  }
0x11: {  	v3 =	vor.u32 v0, v3  }
0x12: {  	v4 =	vor.u32 $0x1, v3;
	_ =	sdelay $0x3  }
0x13: {  	v6 =	vor.u32 $0x2, v3;
	v5 =	vld.idx.msk [tilespmem:v3+s2+$0x0], $0xffff  }
0x14: {  	v4 =	vld.idx.msk [tilespmem:v4+s2+$0x0], $0xffff;
	_ =	sdelay $0x1  }
0x15: {  	v7 =	vor.u32 $0x3, v3;
	_ =	sdelay $0x1  }
0x16: {  	v8 =	vor.u32 $0x4, v3;
	v6 =	vld.idx.msk [tilespmem:v6+s2+$0x0], $0xffff;
	vm0 =	vgt.f32 v5, $-Inf  }
0x17: {  	v5 =	vnsel vm0, $0xFF800000, v5;
	vm14 =	vlt.f32 v4, $-Inf;
	vm1 =	vgt.f32 v4, $-Inf  }
0x18: {  	vm2 =	vgt.f32 v4, v5;
	vm0 =	vmor vm1, vm14  }
0x19: {  	v7 =	vld.idx.msk [tilespmem:v7+s2+$0x0], $0xffff;
	vm15 =	vmneg vm2;
	v9 =	vnsel vm0, $0xFF800000, v4  }
0x1a: {  	v10 =	vor.u32 $0x5, v3;
	v9 =	vsel vm15, v9, v5  }
0x1b: {  	v4 =	vsel vm15, v5, v4;
	vm3 =	vgt.f32 v6, v9  }
0x1c: {  	v11 =	vor.u32 $0x6, v3;
	v8 =	vld.idx.msk [tilespmem:v8+s2+$0x0], $0xffff;
	vm5 =	vgt.f32 v6, v4;
	v21 =	vsel vm3, v6, v9  }
0x1d: {  	v24 =	vor.u32 $0x7, v3;
	v25 =	vor.u32 $0x8, v3;
	v5 =	vsel vm5, v4, v21  }
0x1e: {  	v26 =	vor.u32 $0x9, v3;
	v4 =	vsel vm5, v6, v4;
	vm6 =	vgt.f32 v7, v5  }
0x1f: {  	v27 =	vor.u32 $0xA, v3;
	v10 =	vld.idx.msk [tilespmem:v10+s2+$0x0], $0xffff;
	vm7 =	vgt.f32 v7, v4;
	v5 =	vsel vm6, v7, v5  }
0x20: {  	v23 =	vsel vm2, $0x1, v1;
	vm0 =	vmand vm0, vm15;
	v5 =	vsel vm7, v4, v5  }
0x21: {  	v22 =	vsel vm0, $0x1, v1;
	v4 =	vsel vm7, v7, v4;
	vm8 =	vgt.f32 v8, v5  }
0x22: {  	v11 =	vld.idx.msk [tilespmem:v11+s2+$0x0], $0xffff;
	v9 =	vsel vm3, $0x2, v22;
	vm9 =	vgt.f32 v8, v4;
	v5 =	vsel vm8, v8, v5  }
0x23: {  	v28 =	vor.u32 $0xB, v3;
	v9 =	vsel vm5, v23, v9;
	v5 =	vsel vm9, v4, v5  }
0x24: {  	v6 =	vsel vm5, $0x2, v23;
	v4 =	vsel vm9, v8, v4;
	vm10 =	vgt.f32 v10, v5  }
0x25: {  	v9 =	vsel vm6, $0x3, v9;
	v7 =	vld.idx.msk [tilespmem:v24+s2+$0x0], $0xffff;
	vm11 =	vgt.f32 v10, v4;
	v5 =	vsel vm10, v10, v5  }
0x26: {  	v29 =	vor.u32 $0xC, v3;
	v9 =	vsel vm7, v6, v9;
	v5 =	vsel vm11, v4, v5  }
0x27: {  	v6 =	vsel vm7, $0x3, v6;
	v4 =	vsel vm11, v10, v4;
	vm12 =	vgt.f32 v11, v5  }
0x28: {  	v9 =	vsel vm8, $0x4, v9;
	v8 =	vld.idx.msk [tilespmem:v25+s2+$0x0], $0xffff;
	vm13 =	vgt.f32 v11, v4;
	v5 =	vsel vm12, v11, v5  }
0x29: {  	v30 =	vor.u32 $0xD, v3;
	v9 =	vsel vm9, v6, v9;
	v5 =	vsel vm13, v4, v5  }
0x2a: {  	v6 =	vsel vm9, $0x4, v6;
	v4 =	vsel vm13, v11, v4;
	vm14 =	vgt.f32 v7, v5  }
0x2b: {  	v9 =	vsel vm10, $0x5, v9;
	v10 =	vld.idx.msk [tilespmem:v26+s2+$0x0], $0xffff;
	vm15 =	vgt.f32 v7, v4;
	v5 =	vsel vm14, v7, v5  }
0x2c: {  	v31 =	vor.u32 $0xE, v3;
	v9 =	vsel vm11, v6, v9;
	v5 =	vsel vm15, v4, v5  }
0x2d: {  	v6 =	vsel vm11, $0x5, v6;
	v4 =	vsel vm15, v7, v4;
	vm4 =	vgt.f32 v8, v5  }
0x2e: {  	v9 =	vsel vm12, $0x6, v9;
	v11 =	vld.idx.msk [tilespmem:v27+s2+$0x0], $0xffff;
	vm5 =	vgt.f32 v8, v4;
	v5 =	vsel vm4, v8, v5  }
0x2f: {  	v3 =	vor.u32 $0xF, v3;
	v9 =	vsel vm13, v6, v9;
	v5 =	vsel vm5, v4, v5  }
0x30: {  	v6 =	vsel vm13, $0x6, v6;
	v4 =	vsel vm5, v8, v4;
	vm6 =	vgt.f32 v10, v5  }
0x31: {  	v9 =	vsel vm14, $0x7, v9;
	v7 =	vld.idx.msk [tilespmem:v28+s2+$0x0], $0xffff;
	vm7 =	vgt.f32 v10, v4;
	v5 =	vsel vm6, v10, v5  }
0x32: {  	v9 =	vsel vm15, v6, v9;
	v6 =	vsel vm15, $0x7, v6;
	v5 =	vsel vm7, v4, v5  }
0x33: {  	v9 =	vsel vm4, $0x8, v9;
	v4 =	vsel vm7, v10, v4;
	vm8 =	vgt.f32 v11, v5  }
0x34: {  	v9 =	vsel vm5, v6, v9;
	v8 =	vld.idx.msk [tilespmem:v29+s2+$0x0], $0xffff;
	vm9 =	vgt.f32 v11, v4;
	v5 =	vsel vm8, v11, v5  }
0x35: {  	v6 =	vsel vm5, $0x8, v6;
	v9 =	vsel vm6, $0x9, v9;
	v5 =	vsel vm9, v4, v5  }
0x36: {  	v9 =	vsel vm7, v6, v9;
	v4 =	vsel vm9, v11, v4;
	vm10 =	vgt.f32 v7, v5  }
0x37: {  	v6 =	vsel vm7, $0x9, v6;
	v10 =	vld.idx.msk [tilespmem:v30+s2+$0x0], $0xffff;
	vm11 =	vgt.f32 v7, v4;
	v5 =	vsel vm10, v7, v5  }
0x38: {  	v32 =	vsel vm8, $0xA, v9;
	v5 =	vsel vm11, v4, v5;
	v4 =	vsel vm11, v7, v4  }
0x39: {  	v7 =	vsel vm9, v6, v32;
	v6 =	vsel vm9, $0xA, v6;
	vm12 =	vgt.f32 v8, v5  }
0x3a: {  	v33 =	vld.idx.msk [tilespmem:v31+s2+$0x0], $0xffff;
	vm13 =	vgt.f32 v8, v4;
	v7 =	vsel vm10, $0xB, v7;
	v5 =	vsel vm12, v8, v5  }
0x3b: {  	v7 =	vsel vm11, v6, v7;
	v6 =	vsel vm11, $0xB, v6;
	v5 =	vsel vm13, v4, v5  }
0x3c: {  	v4 =	vsel vm13, v8, v4;
	v7 =	vsel vm12, $0xC, v7;
	vm14 =	vgt.f32 v10, v5  }
0x3d: {  	v3 =	vld.idx.msk [tilespmem:v3+s2+$0x0], $0xffff;
	vm15 =	vgt.f32 v10, v4;
	v7 =	vsel vm13, v6, v7;
	v5 =	vsel vm14, v10, v5  }
0x3e: {  	v6 =	vsel vm13, $0xC, v6;
	v7 =	vsel vm14, $0xD, v7;
	v5 =	vsel vm15, v4, v5  }
0x3f: {  	v4 =	vsel vm15, v10, v4;
	v7 =	vsel vm15, v6, v7;
	vm4 =	vgt.f32 v33, v5  }
0x40: {  	v6 =	vsel vm15, $0xD, v6;
	vm5 =	vgt.f32 v33, v4;
	v5 =	vsel vm4, v33, v5  }
0x41: {  	v7 =	vsel vm4, $0xE, v7;
	v5 =	vsel vm5, v4, v5;
	v4 =	vsel vm5, v33, v4  }
0x42: {  	v7 =	vsel vm5, v6, v7;
	v6 =	vsel vm5, $0xE, v6;
	vm6 =	vgt.f32 v3, v4  }
0x43: {  	v4 =	vsel vm6, $0xF, v6  }
0x44: {  	s13 =	sand.u32 $0x70, s12;
	s14 =	sand.u32 $0x300, s11;
	vm8 =	veq.s32 v4, $0x0  }
0x45: {  	s13 =	sor.u32 s13, s14;
	vm10 =	veq.s32 v4, $0x1;
	v34 =	vsel vm8, $0x3F800000, v2  }
0x46: {  	vm12 =	veq.s32 v4, $0x2;
	v36 =	vsel vm10, $0x3F800000, v2;
	[tilespmem:s13+$0x10000] =	vst v34  }
0x47: {  	vm7 =	vgt.f32 v3, v5;
	vm14 =	veq.s32 v4, $0x3;
	v38 =	vsel vm12, $0x3F800000, v2;
	[tilespmem:s13+$0x10400] =	vst v36  }
0x48: {  	v3 =	vsel vm7, $0xF, v7;
	vm4 =	veq.s32 v4, $0x4;
	v40 =	vsel vm14, $0x3F800000, v2;
	[tilespmem:s13+$0x10800] =	vst v38  }
0x49: {  	v3 =	vsel vm6, v6, v3;
	vm6 =	veq.s32 v4, $0x5;
	v42 =	vsel vm4, $0x3F800000, v2;
	[tilespmem:s13+$0x10C00] =	vst v40  }
0x4a: {  	vm9 =	veq.s32 v3, $0x0;
	v44 =	vsel vm6, $0x3F800000, v2;
	[tilespmem:s13+$0x11000] =	vst v42  }
0x4b: {  	vm11 =	veq.s32 v3, $0x1;
	v35 =	vsel vm9, $0x3F800000, v2;
	[tilespmem:s13+$0x11400] =	vst v44  }
0x4c: {  	vm13 =	veq.s32 v3, $0x2;
	v37 =	vsel vm11, $0x3F800000, v2;
	[tilespmem:s13+$0x10080] =	vst v35  }
0x4d: {  	vm15 =	veq.s32 v3, $0x3;
	v39 =	vsel vm13, $0x3F800000, v2;
	[tilespmem:s13+$0x10480] =	vst v37  }
0x4e: {  	vm5 =	veq.s32 v3, $0x4;
	v41 =	vsel vm15, $0x3F800000, v2;
	[tilespmem:s13+$0x10880] =	vst v39  }
0x4f: {  	vm7 =	veq.s32 v3, $0x5;
	v43 =	vsel vm5, $0x3F800000, v2;
	[tilespmem:s13+$0x10C80] =	vst v41  }
0x50: {  	vm8 =	veq.s32 v4, $0x6;
	v45 =	vsel vm7, $0x3F800000, v2;
	[tilespmem:s13+$0x11080] =	vst v43  }
0x51: {  	vm10 =	veq.s32 v4, $0x7;
	v46 =	vsel vm8, $0x3F800000, v2;
	[tilespmem:s13+$0x11480] =	vst v45  }
0x52: {  	vm12 =	veq.s32 v4, $0x8;
	v48 =	vsel vm10, $0x3F800000, v2;
	[tilespmem:s13+$0x11800] =	vst v46  }
0x53: {  	vm14 =	veq.s32 v4, $0x9;
	v50 =	vsel vm12, $0x3F800000, v2;
	[tilespmem:s13+$0x11C00] =	vst v48  }
0x54: {  	vm4 =	veq.s32 v4, $0xA;
	v52 =	vsel vm14, $0x3F800000, v2;
	[tilespmem:s13+$0x12000] =	vst v50  }
0x55: {  	vm6 =	veq.s32 v4, $0xB;
	v54 =	vsel vm4, $0x3F800000, v2;
	[tilespmem:s13+$0x12400] =	vst v52  }
0x56: {  	vm9 =	veq.s32 v3, $0x6;
	v56 =	vsel vm6, $0x3F800000, v2;
	[tilespmem:s13+$0x12800] =	vst v54  }
0x57: {  	vm11 =	veq.s32 v3, $0x7;
	v47 =	vsel vm9, $0x3F800000, v2;
	[tilespmem:s13+$0x12C00] =	vst v56  }
0x58: {  	vm13 =	veq.s32 v3, $0x8;
	v49 =	vsel vm11, $0x3F800000, v2;
	[tilespmem:s13+$0x11880] =	vst v47  }
0x59: {  	vm15 =	veq.s32 v3, $0x9;
	v51 =	vsel vm13, $0x3F800000, v2;
	[tilespmem:s13+$0x11C80] =	vst v49  }
0x5a: {  	vm5 =	veq.s32 v3, $0xA;
	v53 =	vsel vm15, $0x3F800000, v2;
	[tilespmem:s13+$0x12080] =	vst v51  }
0x5b: {  	vm7 =	veq.s32 v3, $0xB;
	v55 =	vsel vm5, $0x3F800000, v2;
	[tilespmem:s13+$0x12480] =	vst v53  }
0x5c: {  	vm8 =	veq.s32 v4, $0xC;
	v57 =	vsel vm7, $0x3F800000, v2;
	[tilespmem:s13+$0x12880] =	vst v55  }
0x5d: {  	vm10 =	veq.s32 v4, $0xD;
	v58 =	vsel vm8, $0x3F800000, v2;
	[tilespmem:s13+$0x12C80] =	vst v57  }
0x5e: {  	vm12 =	veq.s32 v4, $0xE;
	v60 =	vsel vm10, $0x3F800000, v2;
	[tilespmem:s13+$0x13000] =	vst v58  }
0x5f: {  	vm14 =	veq.s32 v4, $0xF;
	v62 =	vsel vm12, $0x3F800000, v2;
	[tilespmem:s13+$0x13400] =	vst v60  }
0x60: {  	p0 =	sne.s32 s12, $0x1F0;
	vm9 =	veq.s32 v3, $0xC;
	v4 =	vsel vm14, $0x3F800000, v2;
	[tilespmem:s13+$0x13800] =	vst v62  }
.Ltmp0:
0x61: {  	vm11 =	veq.s32 v3, $0xD;
	v59 =	vsel vm9, $0x3F800000, v2;
	[tilespmem:s13+$0x13C00] =	vst v4;
	(pc) =	sbr.rel @p0 .LBB2_2-.Ltmp0, $4  }
0x62: {  	vm13 =	veq.s32 v3, $0xE;
	v61 =	vsel vm11, $0x3F800000, v2;
	[tilespmem:s13+$0x13080] =	vst v59  }
0x63: {  	vm15 =	veq.s32 v3, $0xF;
	v63 =	vsel vm13, $0x3F800000, v2;
	[tilespmem:s13+$0x13480] =	vst v61  }
0x64: {  	v3 =	vsel vm15, $0x3F800000, v2;
	[tilespmem:s13+$0x13880] =	vst v63  }
0x65: {  	s11 =	sadd.s32 $0x20, s11;
	s12 =	sadd.s32 $0x10, s12;
	[tilespmem:s13+$0x13C80] =	vst v3  }
0x66: {  	s10 =	sadd.s32 $0x1, s10  }
0x67: {  	p0 =	sne.s32 s10, s5  }
.Ltmp1:
0x68: {  	_ = 	snop;
	(pc) =	sbr.rel @p0 .LBB2_1-.Ltmp1, $4  }
0x69: {  	[hbm4b:s4+s7] =	stream.strided.scatter [tilespmem:s9], [sflag:$0x1], $0x4000, s8, s7, $0x38;
	[tilespmem:$0x14000] =	vst v63  }
0x6a: {  	_ =	swait.ge [sflag:s6], $0x4000  }
0x6b: {  	[sflag:s6] =	ssyncset.done $0x0  }
0x6c: {  	[sflag:s6] =	ssyncadd.s32 $0xFFFFC000  }
0x6d: {  	_ =	sfence.sel $0x180000  }
0x6e: {  	[bflag:$0x0] =	sbarrier.arrive $0xFFFF  }
0x6f: {  	p0 =	sne.s32 s1, $0x0;
	_ =	strace $0x90000047  }
0x70: {  	s0 =	sadd.s32 @!p0 $0x100000, s0;
	[bflag:$0x2] =	sbarrier.arrive $0xFFFF  }
0x71: {  	[sflag:s0] =	ssyncadd.tile.s32 @!p0 $0x1;
	_ =	shalt  }
.Lfunc_end2:
_tile_overlayer_lowered:
.L_overlay_start_2:
0x72: {  	(tag) =	ssettag $0x2  }
0x73: {  	s0 =	rddreg [dreg:$0x0];
	s2 =	stileid.u32  }
0x74: {  	s1 =	rddreg [dreg:$0x1];
	p0 =	sne.s32 s2, $0x0  }
0x75: {  	s3 =	rddreg [dreg:$0x2];
	[bflag:$0x3] =	sbarrier.arrive $0xFFFF;
	s2 =	simm.s32 @!p0 $0x1C01  }
0x76: {  	[timem:s3], [sflag:s2] =	dma.local @!p0 [hbm:s0], s1  }
0x77: {  	s0 =	simm.s32 @!p0 $0x1  }
0x78: {  	_ =	swait.ge @!p0 [sflag:s0], s1  }
0x79: {  	s1 =	ssub.s32 @!p0 $0x0, s1;
	[sflag:s0] =	ssyncset.done @!p0 $0x0  }
0x7a: {  	[sflag:s0] =	ssyncadd.s32 @!p0 s1  }
0x7b: {  	[bflag:$0x3] =	sbarrier.arrive $0xFFFF  }
0x7c: {  	_ =	shalt  }

</sc_bundles>
